<compile_context>
chip_gen: v7x
topology: tpu7x:2x2x1
jax: 0.10.2.dev20260603
libtpu: 0.0.44.dev20260713+nightly
codegen_flags: <defaults>
</compile_context>

<pallas_src>
import functools

import jax
import jax.numpy as jnp
from jax import lax
from jax.experimental import pallas as pl
from jax.experimental.pallas import tpu as pltpu
from jax.experimental.pallas import tpu_sc as plsc

N_EXP = 16
TOPK = 2
EPS = 0.05
ITERS = 20
BM = 1024


def _router_kernel(x_ref, w_ref, pit_ref, loss_ref, k_ref, b_ref):
    t = pl.program_id(0)
    nt = pl.num_programs(0)
    xb = x_ref[...]
    w = w_ref[...]
    lg = jax.lax.dot_general(
        w, xb, (((1,), (1,)), ((), ())), preferred_element_type=jnp.float32
    )
    la = lg * (-1.0 / EPS)
    m = jnp.max(la, axis=0, keepdims=True)
    kt = jnp.exp(la - m)
    k_ref[:, pl.ds(t * BM, BM)] = kt
    b_ref[:, pl.ds(t * BM, BM)] = 1.0 / jnp.sum(kt, axis=0, keepdims=True)

    @pl.when(t == nt - 1)
    def _finalize():
        scale = float(pit_ref.shape[1]) / N_EXP

        b = b_ref[...]
        for _ in range(ITERS - 1):
            k = k_ref[...]
            a = scale / jnp.sum(k * b, axis=1, keepdims=True)
            b = 1.0 / jnp.sum(k * a, axis=0, keepdims=True)
        k = k_ref[...]
        a = 1.0 / jnp.sum(k * b, axis=1, keepdims=True)
        pit = k * a * b
        pit_ref[...] = pit

        u = 1.0 / N_EXP
        load = jnp.mean(pit, axis=1, keepdims=True)
        loss_ref[...] = jnp.sum(
            u * (jnp.log(u) - jnp.log(load)), axis=(0, 1), keepdims=True
        )


def _make_sc_topk(n):
    info = plsc.get_sparse_core_info()
    nw = info.num_cores * info.num_subcores
    lanes = info.num_lanes
    per_w = n // nw
    groups = per_w // lanes
    mesh = plsc.VectorSubcoreMesh(core_axis_name="c", subcore_axis_name="s")

    @functools.partial(
        pl.kernel,
        mesh=mesh,
        out_type=jax.ShapeDtypeStruct((TOPK, n), jnp.int32),
        scratch_types=[
            pltpu.VMEM((N_EXP, per_w), jnp.float32),
            pltpu.VMEM((TOPK, per_w), jnp.int32),
        ],
    )
    def sc_topk(pit_hbm, idx_hbm, p_v, idx_v):
        wid = lax.axis_index("s") * info.num_cores + lax.axis_index("c")
        base = wid * per_w
        pltpu.sync_copy(pit_hbm.at[:, pl.ds(base, per_w)], p_v)

        def group(g, carry):
            off = g * lanes
            rows = [p_v[e, pl.ds(off, lanes)] for e in range(N_EXP)]
            m1 = rows[0]
            for e in range(1, N_EXP):
                m1 = jnp.maximum(m1, rows[e])
            i1 = jnp.full((lanes,), N_EXP, jnp.int32)
            for e in range(N_EXP - 1, -1, -1):
                i1 = jnp.where(rows[e] == m1, e, i1)
            neg = jnp.full((lanes,), -jnp.inf, jnp.float32)
            m2 = neg
            for e in range(N_EXP):
                m2 = jnp.maximum(m2, jnp.where(i1 == e, neg, rows[e]))
            i2 = jnp.full((lanes,), N_EXP, jnp.int32)
            for e in range(N_EXP - 1, -1, -1):
                i2 = jnp.where((rows[e] == m2) & (i1 != e), e, i2)
            idx_v[0, pl.ds(off, lanes)] = i1
            idx_v[1, pl.ds(off, lanes)] = i2
            return carry

        lax.fori_loop(0, groups, group, 0)
        pltpu.sync_copy(idx_v, idx_hbm.at[:, pl.ds(base, per_w)])

    return sc_topk


def kernel(x, gate_w, centroids):
    b, t, d = x.shape
    n = b * t
    x2 = x.reshape(n, d)
    pit, loss = pl.pallas_call(
        _router_kernel,
        grid=(n // BM,),
        in_specs=[
            pl.BlockSpec((BM, d), lambda i: (i, 0)),
            pl.BlockSpec((N_EXP, d), lambda i: (0, 0)),
        ],
        out_specs=[
            pl.BlockSpec((N_EXP, n), lambda i: (0, 0)),
            pl.BlockSpec((1, 1), lambda i: (0, 0)),
        ],
        out_shape=[
            jax.ShapeDtypeStruct((N_EXP, n), jnp.float32),
            jax.ShapeDtypeStruct((1, 1), jnp.float32),
        ],
        scratch_shapes=[
            pltpu.VMEM((N_EXP, n), jnp.float32),
            pltpu.VMEM((1, n), jnp.float32),
        ],
    )(x2, gate_w)
    idxt = _make_sc_topk(n)(pit)
    dispatch = pit.T.reshape(b, t, N_EXP)
    indices = idxt.T.reshape(b, t, TOPK)
    load_loss = loss[0, 0]
    return dispatch, indices, load_loss

# --- scband reference (transcript-rebuilt; emitter-appended) ---
"""Pipeline reference for scband-otrouter-41120016892130 (READ-ONLY COPY).

The authoritative reference and input builder live on the scoring server;
editing this copy changes nothing except your own understanding.
"""

import jax, jax.numpy as jnp
import numpy as np

N_EXPERTS = 16
TOP_K = 2
EPSILON = 0.05
N_ITERS = 20
B, T, D = 4, 2048, 2048


def sinkhorn(cost, n_iters=20, epsilon=0.05):
    log_alpha = cost / epsilon
    for _ in range(n_iters):
        log_alpha = log_alpha - jax.scipy.special.logsumexp(log_alpha, axis=-1, keepdims=True)
        log_alpha = log_alpha - jax.scipy.special.logsumexp(log_alpha, axis=-2, keepdims=True)
    return jnp.exp(log_alpha)


def setup_inputs(seed: int = 0) -> dict:
    key = jax.random.key(seed)
    k1, k2, k3 = jax.random.split(key, 3)
    x = jax.random.normal(k1, (B, T, D), dtype=jnp.float32)
    gate_w = jax.random.normal(k2, (N_EXPERTS, D), dtype=jnp.float32) * 0.02
    centroids = jax.random.normal(k3, (N_EXPERTS, D), dtype=jnp.float32) * 0.02
    return {"x": x, "gate_w": gate_w, "centroids": centroids}


def reference(x, gate_w, centroids):
    # Training-mode path of OTRouter.forward (Sinkhorn routing).
    b, t, d = x.shape
    n = b * t
    x_flat = x.reshape(n, d)
    logits = x_flat @ gate_w.T  # (N, E)
    cost = -logits
    pi = sinkhorn(cost, n_iters=N_ITERS, epsilon=EPSILON)
    top_vals, top_idx = jax.lax.top_k(pi, TOP_K)
    top_vals = top_vals / (jnp.sum(top_vals, axis=-1, keepdims=True) + 1e-08)
    dispatch = pi.reshape(b, t, N_EXPERTS)
    indices = top_idx.reshape(b, t, TOP_K)
    expert_load = jnp.mean(pi, axis=0)
    uniform = jnp.ones_like(expert_load) / N_EXPERTS
    # F.kl_div(input=log_pred, target=uniform, reduction='sum') = sum target*(log target - log_pred)
    load_loss = jnp.sum(uniform * (jnp.log(uniform) - jnp.log(expert_load)))
    return (dispatch, indices, load_loss)

if __name__ == "__main__":
    import jax
    _d = setup_inputs()
    print(jax.jit(kernel)(*tuple(_d.values())))

</pallas_src>

<mosaic_0001>
#map = affine_map<(d0, d1) -> (0, 0)>
module attributes {stable_mosaic.version = 14 : i64} {
  func.func @sc_topk(%arg0: i32, %arg1: i32, %arg2: memref<16x8192xf32, #tpu.memory_space<hbm>>, %arg3: memref<2x8192xi32, #tpu.memory_space<hbm>>, %arg4: memref<16x256xf32, #tpu.memory_space<vmem>>, %arg5: memref<2x256xi32, #tpu.memory_space<vmem>>) attributes {dimension_semantics = [#tpu.dimension_semantics<core_parallel>, #tpu.dimension_semantics<subcore_parallel>], iteration_bounds = array<i64: 2, 16>, scalar_prefetch = 0 : i64, scratch_operands = 2 : i64, tpu.core_type = #tpu.core_type<sc_vector_subcore>, window_params = [{transform_indices = #map}, {transform_indices = #map}]} {
    %mul3A = arith.constant 2 : i32
    %mul3A_0 = arith.muli %arg1, %mul3A : i32
    %add3A = arith.addi %mul3A_0, %arg0 : i32
    %mul3A_1 = arith.constant 256 : i32
    %mul3A_2 = arith.muli %add3A, %mul3A_1 : i32
    "tpu.region"() ({
      %run_scoped3A = tpu.sem_alloc : memref<!tpu.dma_semaphore, #tpu.memory_space<semaphore_mem>>
      %dma_start3A = arith.constant 0 : i32
      %dma_start3A_8 = tpu.memref_slice %arg2[%dma_start3A, %mul3A_2] : memref<16x8192xf32, #tpu.memory_space<hbm>> -> memref<16x256xf32, #tpu.memory_space<hbm>>
      %dma_start3A_9 = arith.constant 0 : i32
      %dma_start3A_10 = tpu.memref_slice %arg2[%dma_start3A_9, %mul3A_2] : memref<16x8192xf32, #tpu.memory_space<hbm>> -> memref<16x256xf32, #tpu.memory_space<hbm>>
      tpu.enqueue_dma source(%dma_start3A_10 : memref<16x256xf32, #tpu.memory_space<hbm>>) target(%arg4 : memref<16x256xf32, #tpu.memory_space<vmem>>) target_semaphore(%run_scoped3A : memref<!tpu.dma_semaphore, #tpu.memory_space<semaphore_mem>>)
      %dma_wait3A = arith.constant 0 : i32
      %dma_wait3A_11 = tpu.memref_slice %arg2[%dma_wait3A, %mul3A_2] : memref<16x8192xf32, #tpu.memory_space<hbm>> -> memref<16x256xf32, #tpu.memory_space<hbm>>
      %dma_wait3A_12 = arith.constant 0 : i32
      %dma_wait3A_13 = tpu.memref_slice %arg2[%dma_wait3A_12, %mul3A_2] : memref<16x8192xf32, #tpu.memory_space<hbm>> -> memref<16x256xf32, #tpu.memory_space<hbm>>
      tpu.wait_dma2 semaphore(%run_scoped3A : memref<!tpu.dma_semaphore, #tpu.memory_space<semaphore_mem>>) src(%dma_wait3A_13 : memref<16x256xf32, #tpu.memory_space<hbm>>) dst(%arg4 : memref<16x256xf32, #tpu.memory_space<vmem>>)
      tpu.yield
    }) : () -> ()
    %scan3A = arith.constant 0 : i32
    %scan3A_3 = arith.constant 0 : i32
    %scan3A_4 = arith.constant 16 : i32
    %scan3A_5 = arith.addi %scan3A_3, %scan3A_4 : i32
    %scan3A_6 = arith.constant 1 : i32
    scf.for %scan3A_8 = %scan3A_3 to %scan3A_5 step %scan3A_6  : i32 {
      %mul3A_9 = arith.constant 16 : i32
      %mul3A_10 = arith.muli %scan3A_8, %mul3A_9 : i32
      %get3A = arith.constant 0 : i32
      %get3A_11 = arith.index_cast %get3A : i32 to index
      %get3A_12 = arith.index_cast %mul3A_10 : i32 to index
      %get3A_13 = tpu.vector_load %arg4[%get3A_11, %get3A_12] {strides = array<i32>} : memref<16x256xf32, #tpu.memory_space<vmem>>, vector<1x16xf32>,
      %get3A_14 = vector.shape_cast %get3A_13 : vector<1x16xf32> to vector<16xf32>
      %get3A_15 = arith.constant 1 : i32
      %get3A_16 = arith.index_cast %get3A_15 : i32 to index
      %get3A_17 = arith.index_cast %mul3A_10 : i32 to index
      %get3A_18 = tpu.vector_load %arg4[%get3A_16, %get3A_17] {strides = array<i32>} : memref<16x256xf32, #tpu.memory_space<vmem>>, vector<1x16xf32>,
      %get3A_19 = vector.shape_cast %get3A_18 : vector<1x16xf32> to vector<16xf32>
      %get3A_20 = arith.constant 2 : i32
      %get3A_21 = arith.index_cast %get3A_20 : i32 to index
      %get3A_22 = arith.index_cast %mul3A_10 : i32 to index
      %get3A_23 = tpu.vector_load %arg4[%get3A_21, %get3A_22] {strides = array<i32>} : memref<16x256xf32, #tpu.memory_space<vmem>>, vector<1x16xf32>,
      %get3A_24 = vector.shape_cast %get3A_23 : vector<1x16xf32> to vector<16xf32>
      %get3A_25 = arith.constant 3 : i32
      %get3A_26 = arith.index_cast %get3A_25 : i32 to index
      %get3A_27 = arith.index_cast %mul3A_10 : i32 to index
      %get3A_28 = tpu.vector_load %arg4[%get3A_26, %get3A_27] {strides = array<i32>} : memref<16x256xf32, #tpu.memory_space<vmem>>, vector<1x16xf32>,
      %get3A_29 = vector.shape_cast %get3A_28 : vector<1x16xf32> to vector<16xf32>
      %get3A_30 = arith.constant 4 : i32
      %get3A_31 = arith.index_cast %get3A_30 : i32 to index
      %get3A_32 = arith.index_cast %mul3A_10 : i32 to index
      %get3A_33 = tpu.vector_load %arg4[%get3A_31, %get3A_32] {strides = array<i32>} : memref<16x256xf32, #tpu.memory_space<vmem>>, vector<1x16xf32>,
      %get3A_34 = vector.shape_cast %get3A_33 : vector<1x16xf32> to vector<16xf32>
      %get3A_35 = arith.constant 5 : i32
      %get3A_36 = arith.index_cast %get3A_35 : i32 to index
      %get3A_37 = arith.index_cast %mul3A_10 : i32 to index
      %get3A_38 = tpu.vector_load %arg4[%get3A_36, %get3A_37] {strides = array<i32>} : memref<16x256xf32, #tpu.memory_space<vmem>>, vector<1x16xf32>,
      %get3A_39 = vector.shape_cast %get3A_38 : vector<1x16xf32> to vector<16xf32>
      %get3A_40 = arith.constant 6 : i32
      %get3A_41 = arith.index_cast %get3A_40 : i32 to index
      %get3A_42 = arith.index_cast %mul3A_10 : i32 to index
      %get3A_43 = tpu.vector_load %arg4[%get3A_41, %get3A_42] {strides = array<i32>} : memref<16x256xf32, #tpu.memory_space<vmem>>, vector<1x16xf32>,
      %get3A_44 = vector.shape_cast %get3A_43 : vector<1x16xf32> to vector<16xf32>
      %get3A_45 = arith.constant 7 : i32
      %get3A_46 = arith.index_cast %get3A_45 : i32 to index
      %get3A_47 = arith.index_cast %mul3A_10 : i32 to index
      %get3A_48 = tpu.vector_load %arg4[%get3A_46, %get3A_47] {strides = array<i32>} : memref<16x256xf32, #tpu.memory_space<vmem>>, vector<1x16xf32>,
      %get3A_49 = vector.shape_cast %get3A_48 : vector<1x16xf32> to vector<16xf32>
      %get3A_50 = arith.constant 8 : i32
      %get3A_51 = arith.index_cast %get3A_50 : i32 to index
      %get3A_52 = arith.index_cast %mul3A_10 : i32 to index
      %get3A_53 = tpu.vector_load %arg4[%get3A_51, %get3A_52] {strides = array<i32>} : memref<16x256xf32, #tpu.memory_space<vmem>>, vector<1x16xf32>,
      %get3A_54 = vector.shape_cast %get3A_53 : vector<1x16xf32> to vector<16xf32>
      %get3A_55 = arith.constant 9 : i32
      %get3A_56 = arith.index_cast %get3A_55 : i32 to index
      %get3A_57 = arith.index_cast %mul3A_10 : i32 to index
      %get3A_58 = tpu.vector_load %arg4[%get3A_56, %get3A_57] {strides = array<i32>} : memref<16x256xf32, #tpu.memory_space<vmem>>, vector<1x16xf32>,
      %get3A_59 = vector.shape_cast %get3A_58 : vector<1x16xf32> to vector<16xf32>
      %get3A_60 = arith.constant 10 : i32
      %get3A_61 = arith.index_cast %get3A_60 : i32 to index
      %get3A_62 = arith.index_cast %mul3A_10 : i32 to index
      %get3A_63 = tpu.vector_load %arg4[%get3A_61, %get3A_62] {strides = array<i32>} : memref<16x256xf32, #tpu.memory_space<vmem>>, vector<1x16xf32>,
      %get3A_64 = vector.shape_cast %get3A_63 : vector<1x16xf32> to vector<16xf32>
      %get3A_65 = arith.constant 11 : i32
      %get3A_66 = arith.index_cast %get3A_65 : i32 to index
      %get3A_67 = arith.index_cast %mul3A_10 : i32 to index
      %get3A_68 = tpu.vector_load %arg4[%get3A_66, %get3A_67] {strides = array<i32>} : memref<16x256xf32, #tpu.memory_space<vmem>>, vector<1x16xf32>,
      %get3A_69 = vector.shape_cast %get3A_68 : vector<1x16xf32> to vector<16xf32>
      %get3A_70 = arith.constant 12 : i32
      %get3A_71 = arith.index_cast %get3A_70 : i32 to index
      %get3A_72 = arith.index_cast %mul3A_10 : i32 to index
      %get3A_73 = tpu.vector_load %arg4[%get3A_71, %get3A_72] {strides = array<i32>} : memref<16x256xf32, #tpu.memory_space<vmem>>, vector<1x16xf32>,
      %get3A_74 = vector.shape_cast %get3A_73 : vector<1x16xf32> to vector<16xf32>
      %get3A_75 = arith.constant 13 : i32
      %get3A_76 = arith.index_cast %get3A_75 : i32 to index
      %get3A_77 = arith.index_cast %mul3A_10 : i32 to index
      %get3A_78 = tpu.vector_load %arg4[%get3A_76, %get3A_77] {strides = array<i32>} : memref<16x256xf32, #tpu.memory_space<vmem>>, vector<1x16xf32>,
      %get3A_79 = vector.shape_cast %get3A_78 : vector<1x16xf32> to vector<16xf32>
      %get3A_80 = arith.constant 14 : i32
      %get3A_81 = arith.index_cast %get3A_80 : i32 to index
      %get3A_82 = arith.index_cast %mul3A_10 : i32 to index
      %get3A_83 = tpu.vector_load %arg4[%get3A_81, %get3A_82] {strides = array<i32>} : memref<16x256xf32, #tpu.memory_space<vmem>>, vector<1x16xf32>,
      %get3A_84 = vector.shape_cast %get3A_83 : vector<1x16xf32> to vector<16xf32>
      %get3A_85 = arith.constant 15 : i32
      %get3A_86 = arith.index_cast %get3A_85 : i32 to index
      %get3A_87 = arith.index_cast %mul3A_10 : i32 to index
      %get3A_88 = tpu.vector_load %arg4[%get3A_86, %get3A_87] {strides = array<i32>} : memref<16x256xf32, #tpu.memory_space<vmem>>, vector<1x16xf32>,
      %get3A_89 = vector.shape_cast %get3A_88 : vector<1x16xf32> to vector<16xf32>
      %max3A = arith.maximumf %get3A_14, %get3A_19 : vector<16xf32>
      %max3A_90 = arith.maximumf %max3A, %get3A_24 : vector<16xf32>
      %max3A_91 = arith.maximumf %max3A_90, %get3A_29 : vector<16xf32>
      %max3A_92 = arith.maximumf %max3A_91, %get3A_34 : vector<16xf32>
      %max3A_93 = arith.maximumf %max3A_92, %get3A_39 : vector<16xf32>
      %max3A_94 = arith.maximumf %max3A_93, %get3A_44 : vector<16xf32>
      %max3A_95 = arith.maximumf %max3A_94, %get3A_49 : vector<16xf32>
      %max3A_96 = arith.maximumf %max3A_95, %get3A_54 : vector<16xf32>
      %max3A_97 = arith.maximumf %max3A_96, %get3A_59 : vector<16xf32>
      %max3A_98 = arith.maximumf %max3A_97, %get3A_64 : vector<16xf32>
      %max3A_99 = arith.maximumf %max3A_98, %get3A_69 : vector<16xf32>
      %max3A_100 = arith.maximumf %max3A_99, %get3A_74 : vector<16xf32>
      %max3A_101 = arith.maximumf %max3A_100, %get3A_79 : vector<16xf32>
      %max3A_102 = arith.maximumf %max3A_101, %get3A_84 : vector<16xf32>
      %max3A_103 = arith.maximumf %max3A_102, %get3A_89 : vector<16xf32>
      %broadcast_in_dim3A = arith.constant 16 : i32
      %broadcast_in_dim3A_104 = vector.broadcast %broadcast_in_dim3A : i32 to vector<16xi32>
      %eq3A = arith.cmpf oeq, %get3A_89, %max3A_103 : vector<16xf32>
      %jit3A = arith.constant 15 : i32
      %broadcast_in_dim3A_105 = vector.broadcast %jit3A : i32 to vector<16xi32>
      %select_n3A = arith.select %eq3A, %broadcast_in_dim3A_105, %broadcast_in_dim3A_104 : vector<16xi1>, vector<16xi32>
      %eq3A_106 = arith.cmpf oeq, %get3A_84, %max3A_103 : vector<16xf32>
      %jit3A_107 = arith.constant 14 : i32
      %broadcast_in_dim3A_108 = vector.broadcast %jit3A_107 : i32 to vector<16xi32>
      %select_n3A_109 = arith.select %eq3A_106, %broadcast_in_dim3A_108, %select_n3A : vector<16xi1>, vector<16xi32>
      %eq3A_110 = arith.cmpf oeq, %get3A_79, %max3A_103 : vector<16xf32>
      %jit3A_111 = arith.constant 13 : i32
      %broadcast_in_dim3A_112 = vector.broadcast %jit3A_111 : i32 to vector<16xi32>
      %select_n3A_113 = arith.select %eq3A_110, %broadcast_in_dim3A_112, %select_n3A_109 : vector<16xi1>, vector<16xi32>
      %eq3A_114 = arith.cmpf oeq, %get3A_74, %max3A_103 : vector<16xf32>
      %jit3A_115 = arith.constant 12 : i32
      %broadcast_in_dim3A_116 = vector.broadcast %jit3A_115 : i32 to vector<16xi32>
      %select_n3A_117 = arith.select %eq3A_114, %broadcast_in_dim3A_116, %select_n3A_113 : vector<16xi1>, vector<16xi32>
      %eq3A_118 = arith.cmpf oeq, %get3A_69, %max3A_103 : vector<16xf32>
      %jit3A_119 = arith.constant 11 : i32
      %broadcast_in_dim3A_120 = vector.broadcast %jit3A_119 : i32 to vector<16xi32>
      %select_n3A_121 = arith.select %eq3A_118, %broadcast_in_dim3A_120, %select_n3A_117 : vector<16xi1>, vector<16xi32>
      %eq3A_122 = arith.cmpf oeq, %get3A_64, %max3A_103 : vector<16xf32>
      %jit3A_123 = arith.constant 10 : i32
      %broadcast_in_dim3A_124 = vector.broadcast %jit3A_123 : i32 to vector<16xi32>
      %select_n3A_125 = arith.select %eq3A_122, %broadcast_in_dim3A_124, %select_n3A_121 : vector<16xi1>, vector<16xi32>
      %eq3A_126 = arith.cmpf oeq, %get3A_59, %max3A_103 : vector<16xf32>
      %jit3A_127 = arith.constant 9 : i32
      %broadcast_in_dim3A_128 = vector.broadcast %jit3A_127 : i32 to vector<16xi32>
      %select_n3A_129 = arith.select %eq3A_126, %broadcast_in_dim3A_128, %select_n3A_125 : vector<16xi1>, vector<16xi32>
      %eq3A_130 = arith.cmpf oeq, %get3A_54, %max3A_103 : vector<16xf32>
      %jit3A_131 = arith.constant 8 : i32
      %broadcast_in_dim3A_132 = vector.broadcast %jit3A_131 : i32 to vector<16xi32>
      %select_n3A_133 = arith.select %eq3A_130, %broadcast_in_dim3A_132, %select_n3A_129 : vector<16xi1>, vector<16xi32>
      %eq3A_134 = arith.cmpf oeq, %get3A_49, %max3A_103 : vector<16xf32>
      %jit3A_135 = arith.constant 7 : i32
      %broadcast_in_dim3A_136 = vector.broadcast %jit3A_135 : i32 to vector<16xi32>
      %select_n3A_137 = arith.select %eq3A_134, %broadcast_in_dim3A_136, %select_n3A_133 : vector<16xi1>, vector<16xi32>
      %eq3A_138 = arith.cmpf oeq, %get3A_44, %max3A_103 : vector<16xf32>
      %jit3A_139 = arith.constant 6 : i32
      %broadcast_in_dim3A_140 = vector.broadcast %jit3A_139 : i32 to vector<16xi32>
      %select_n3A_141 = arith.select %eq3A_138, %broadcast_in_dim3A_140, %select_n3A_137 : vector<16xi1>, vector<16xi32>
      %eq3A_142 = arith.cmpf oeq, %get3A_39, %max3A_103 : vector<16xf32>
      %jit3A_143 = arith.constant 5 : i32
      %broadcast_in_dim3A_144 = vector.broadcast %jit3A_143 : i32 to vector<16xi32>
      %select_n3A_145 = arith.select %eq3A_142, %broadcast_in_dim3A_144, %select_n3A_141 : vector<16xi1>, vector<16xi32>
      %eq3A_146 = arith.cmpf oeq, %get3A_34, %max3A_103 : vector<16xf32>
      %jit3A_147 = arith.constant 4 : i32
      %broadcast_in_dim3A_148 = vector.broadcast %jit3A_147 : i32 to vector<16xi32>
      %select_n3A_149 = arith.select %eq3A_146, %broadcast_in_dim3A_148, %select_n3A_145 : vector<16xi1>, vector<16xi32>
      %eq3A_150 = arith.cmpf oeq, %get3A_29, %max3A_103 : vector<16xf32>
      %jit3A_151 = arith.constant 3 : i32
      %broadcast_in_dim3A_152 = vector.broadcast %jit3A_151 : i32 to vector<16xi32>
      %select_n3A_153 = arith.select %eq3A_150, %broadcast_in_dim3A_152, %select_n3A_149 : vector<16xi1>, vector<16xi32>
      %eq3A_154 = arith.cmpf oeq, %get3A_24, %max3A_103 : vector<16xf32>
      %jit3A_155 = arith.constant 2 : i32
      %broadcast_in_dim3A_156 = vector.broadcast %jit3A_155 : i32 to vector<16xi32>
      %select_n3A_157 = arith.select %eq3A_154, %broadcast_in_dim3A_156, %select_n3A_153 : vector<16xi1>, vector<16xi32>
      %eq3A_158 = arith.cmpf oeq, %get3A_19, %max3A_103 : vector<16xf32>
      %jit3A_159 = arith.constant 1 : i32
      %broadcast_in_dim3A_160 = vector.broadcast %jit3A_159 : i32 to vector<16xi32>
      %select_n3A_161 = arith.select %eq3A_158, %broadcast_in_dim3A_160, %select_n3A_157 : vector<16xi1>, vector<16xi32>
      %eq3A_162 = arith.cmpf oeq, %get3A_14, %max3A_103 : vector<16xf32>
      %jit3A_163 = arith.constant 0 : i32
      %broadcast_in_dim3A_164 = vector.broadcast %jit3A_163 : i32 to vector<16xi32>
      %select_n3A_165 = arith.select %eq3A_162, %broadcast_in_dim3A_164, %select_n3A_161 : vector<16xi1>, vector<16xi32>
      %broadcast_in_dim3A_166 = arith.constant 0xFF800000 : f32
      %broadcast_in_dim3A_167 = vector.broadcast %broadcast_in_dim3A_166 : f32 to vector<16xf32>
      %eq3A_168 = arith.constant 0 : i32
      %eq3A_169 = vector.broadcast %eq3A_168 : i32 to vector<16xi32>
      %eq3A_170 = arith.cmpi eq, %select_n3A_165, %eq3A_169 : vector<16xi32>
      %select_n3A_171 = arith.select %eq3A_170, %broadcast_in_dim3A_167, %get3A_14 : vector<16xi1>, vector<16xf32>
      %max3A_172 = arith.maximumf %broadcast_in_dim3A_167, %select_n3A_171 : vector<16xf32>
      %eq3A_173 = arith.constant 1 : i32
      %eq3A_174 = vector.broadcast %eq3A_173 : i32 to vector<16xi32>
      %eq3A_175 = arith.cmpi eq, %select_n3A_165, %eq3A_174 : vector<16xi32>
      %select_n3A_176 = arith.select %eq3A_175, %broadcast_in_dim3A_167, %get3A_19 : vector<16xi1>, vector<16xf32>
      %max3A_177 = arith.maximumf %max3A_172, %select_n3A_176 : vector<16xf32>
      %eq3A_178 = arith.constant 2 : i32
      %eq3A_179 = vector.broadcast %eq3A_178 : i32 to vector<16xi32>
      %eq3A_180 = arith.cmpi eq, %select_n3A_165, %eq3A_179 : vector<16xi32>
      %select_n3A_181 = arith.select %eq3A_180, %broadcast_in_dim3A_167, %get3A_24 : vector<16xi1>, vector<16xf32>
      %max3A_182 = arith.maximumf %max3A_177, %select_n3A_181 : vector<16xf32>
      %eq3A_183 = arith.constant 3 : i32
      %eq3A_184 = vector.broadcast %eq3A_183 : i32 to vector<16xi32>
      %eq3A_185 = arith.cmpi eq, %select_n3A_165, %eq3A_184 : vector<16xi32>
      %select_n3A_186 = arith.select %eq3A_185, %broadcast_in_dim3A_167, %get3A_29 : vector<16xi1>, vector<16xf32>
      %max3A_187 = arith.maximumf %max3A_182, %select_n3A_186 : vector<16xf32>
      %eq3A_188 = arith.constant 4 : i32
      %eq3A_189 = vector.broadcast %eq3A_188 : i32 to vector<16xi32>
      %eq3A_190 = arith.cmpi eq, %select_n3A_165, %eq3A_189 : vector<16xi32>
      %select_n3A_191 = arith.select %eq3A_190, %broadcast_in_dim3A_167, %get3A_34 : vector<16xi1>, vector<16xf32>
      %max3A_192 = arith.maximumf %max3A_187, %select_n3A_191 : vector<16xf32>
      %eq3A_193 = arith.constant 5 : i32
      %eq3A_194 = vector.broadcast %eq3A_193 : i32 to vector<16xi32>
      %eq3A_195 = arith.cmpi eq, %select_n3A_165, %eq3A_194 : vector<16xi32>
      %select_n3A_196 = arith.select %eq3A_195, %broadcast_in_dim3A_167, %get3A_39 : vector<16xi1>, vector<16xf32>
      %max3A_197 = arith.maximumf %max3A_192, %select_n3A_196 : vector<16xf32>
      %eq3A_198 = arith.constant 6 : i32
      %eq3A_199 = vector.broadcast %eq3A_198 : i32 to vector<16xi32>
      %eq3A_200 = arith.cmpi eq, %select_n3A_165, %eq3A_199 : vector<16xi32>
      %select_n3A_201 = arith.select %eq3A_200, %broadcast_in_dim3A_167, %get3A_44 : vector<16xi1>, vector<16xf32>
      %max3A_202 = arith.maximumf %max3A_197, %select_n3A_201 : vector<16xf32>
      %eq3A_203 = arith.constant 7 : i32
      %eq3A_204 = vector.broadcast %eq3A_203 : i32 to vector<16xi32>
      %eq3A_205 = arith.cmpi eq, %select_n3A_165, %eq3A_204 : vector<16xi32>
      %select_n3A_206 = arith.select %eq3A_205, %broadcast_in_dim3A_167, %get3A_49 : vector<16xi1>, vector<16xf32>
      %max3A_207 = arith.maximumf %max3A_202, %select_n3A_206 : vector<16xf32>
      %eq3A_208 = arith.constant 8 : i32
      %eq3A_209 = vector.broadcast %eq3A_208 : i32 to vector<16xi32>
      %eq3A_210 = arith.cmpi eq, %select_n3A_165, %eq3A_209 : vector<16xi32>
      %select_n3A_211 = arith.select %eq3A_210, %broadcast_in_dim3A_167, %get3A_54 : vector<16xi1>, vector<16xf32>
      %max3A_212 = arith.maximumf %max3A_207, %select_n3A_211 : vector<16xf32>
      %eq3A_213 = arith.constant 9 : i32
      %eq3A_214 = vector.broadcast %eq3A_213 : i32 to vector<16xi32>
      %eq3A_215 = arith.cmpi eq, %select_n3A_165, %eq3A_214 : vector<16xi32>
      %select_n3A_216 = arith.select %eq3A_215, %broadcast_in_dim3A_167, %get3A_59 : vector<16xi1>, vector<16xf32>
      %max3A_217 = arith.maximumf %max3A_212, %select_n3A_216 : vector<16xf32>
      %eq3A_218 = arith.constant 10 : i32
      %eq3A_219 = vector.broadcast %eq3A_218 : i32 to vector<16xi32>
      %eq3A_220 = arith.cmpi eq, %select_n3A_165, %eq3A_219 : vector<16xi32>
      %select_n3A_221 = arith.select %eq3A_220, %broadcast_in_dim3A_167, %get3A_64 : vector<16xi1>, vector<16xf32>
      %max3A_222 = arith.maximumf %max3A_217, %select_n3A_221 : vector<16xf32>
      %eq3A_223 = arith.constant 11 : i32
      %eq3A_224 = vector.broadcast %eq3A_223 : i32 to vector<16xi32>
      %eq3A_225 = arith.cmpi eq, %select_n3A_165, %eq3A_224 : vector<16xi32>
      %select_n3A_226 = arith.select %eq3A_225, %broadcast_in_dim3A_167, %get3A_69 : vector<16xi1>, vector<16xf32>
      %max3A_227 = arith.maximumf %max3A_222, %select_n3A_226 : vector<16xf32>
      %eq3A_228 = arith.constant 12 : i32
      %eq3A_229 = vector.broadcast %eq3A_228 : i32 to vector<16xi32>
      %eq3A_230 = arith.cmpi eq, %select_n3A_165, %eq3A_229 : vector<16xi32>
      %select_n3A_231 = arith.select %eq3A_230, %broadcast_in_dim3A_167, %get3A_74 : vector<16xi1>, vector<16xf32>
      %max3A_232 = arith.maximumf %max3A_227, %select_n3A_231 : vector<16xf32>
      %eq3A_233 = arith.constant 13 : i32
      %eq3A_234 = vector.broadcast %eq3A_233 : i32 to vector<16xi32>
      %eq3A_235 = arith.cmpi eq, %select_n3A_165, %eq3A_234 : vector<16xi32>
      %select_n3A_236 = arith.select %eq3A_235, %broadcast_in_dim3A_167, %get3A_79 : vector<16xi1>, vector<16xf32>
      %max3A_237 = arith.maximumf %max3A_232, %select_n3A_236 : vector<16xf32>
      %eq3A_238 = arith.constant 14 : i32
      %eq3A_239 = vector.broadcast %eq3A_238 : i32 to vector<16xi32>
      %eq3A_240 = arith.cmpi eq, %select_n3A_165, %eq3A_239 : vector<16xi32>
      %select_n3A_241 = arith.select %eq3A_240, %broadcast_in_dim3A_167, %get3A_84 : vector<16xi1>, vector<16xf32>
      %max3A_242 = arith.maximumf %max3A_237, %select_n3A_241 : vector<16xf32>
      %eq3A_243 = arith.constant 15 : i32
      %eq3A_244 = vector.broadcast %eq3A_243 : i32 to vector<16xi32>
      %eq3A_245 = arith.cmpi eq, %select_n3A_165, %eq3A_244 : vector<16xi32>
      %select_n3A_246 = arith.select %eq3A_245, %broadcast_in_dim3A_167, %get3A_89 : vector<16xi1>, vector<16xf32>
      %max3A_247 = arith.maximumf %max3A_242, %select_n3A_246 : vector<16xf32>
      %broadcast_in_dim3A_248 = arith.constant 16 : i32
      %broadcast_in_dim3A_249 = vector.broadcast %broadcast_in_dim3A_248 : i32 to vector<16xi32>
      %eq3A_250 = arith.cmpf oeq, %get3A_89, %max3A_247 : vector<16xf32>
      %ne3A = arith.constant 15 : i32
      %ne3A_251 = vector.broadcast %ne3A : i32 to vector<16xi32>
      %ne3A_252 = arith.cmpi ne, %select_n3A_165, %ne3A_251 : vector<16xi32>
      %and3A = arith.andi %eq3A_250, %ne3A_252 : vector<16xi1>
      %jit3A_253 = arith.constant 15 : i32
      %broadcast_in_dim3A_254 = vector.broadcast %jit3A_253 : i32 to vector<16xi32>
      %select_n3A_255 = arith.select %and3A, %broadcast_in_dim3A_254, %broadcast_in_dim3A_249 : vector<16xi1>, vector<16xi32>
      %eq3A_256 = arith.cmpf oeq, %get3A_84, %max3A_247 : vector<16xf32>
      %ne3A_257 = arith.constant 14 : i32
      %ne3A_258 = vector.broadcast %ne3A_257 : i32 to vector<16xi32>
      %ne3A_259 = arith.cmpi ne, %select_n3A_165, %ne3A_258 : vector<16xi32>
      %and3A_260 = arith.andi %eq3A_256, %ne3A_259 : vector<16xi1>
      %jit3A_261 = arith.constant 14 : i32
      %broadcast_in_dim3A_262 = vector.broadcast %jit3A_261 : i32 to vector<16xi32>
      %select_n3A_263 = arith.select %and3A_260, %broadcast_in_dim3A_262, %select_n3A_255 : vector<16xi1>, vector<16xi32>
      %eq3A_264 = arith.cmpf oeq, %get3A_79, %max3A_247 : vector<16xf32>
      %ne3A_265 = arith.constant 13 : i32
      %ne3A_266 = vector.broadcast %ne3A_265 : i32 to vector<16xi32>
      %ne3A_267 = arith.cmpi ne, %select_n3A_165, %ne3A_266 : vector<16xi32>
      %and3A_268 = arith.andi %eq3A_264, %ne3A_267 : vector<16xi1>
      %jit3A_269 = arith.constant 13 : i32
      %broadcast_in_dim3A_270 = vector.broadcast %jit3A_269 : i32 to vector<16xi32>
      %select_n3A_271 = arith.select %and3A_268, %broadcast_in_dim3A_270, %select_n3A_263 : vector<16xi1>, vector<16xi32>
      %eq3A_272 = arith.cmpf oeq, %get3A_74, %max3A_247 : vector<16xf32>
      %ne3A_273 = arith.constant 12 : i32
      %ne3A_274 = vector.broadcast %ne3A_273 : i32 to vector<16xi32>
      %ne3A_275 = arith.cmpi ne, %select_n3A_165, %ne3A_274 : vector<16xi32>
      %and3A_276 = arith.andi %eq3A_272, %ne3A_275 : vector<16xi1>
      %jit3A_277 = arith.constant 12 : i32
      %broadcast_in_dim3A_278 = vector.broadcast %jit3A_277 : i32 to vector<16xi32>
      %select_n3A_279 = arith.select %and3A_276, %broadcast_in_dim3A_278, %select_n3A_271 : vector<16xi1>, vector<16xi32>
      %eq3A_280 = arith.cmpf oeq, %get3A_69, %max3A_247 : vector<16xf32>
      %ne3A_281 = arith.constant 11 : i32
      %ne3A_282 = vector.broadcast %ne3A_281 : i32 to vector<16xi32>
      %ne3A_283 = arith.cmpi ne, %select_n3A_165, %ne3A_282 : vector<16xi32>
      %and3A_284 = arith.andi %eq3A_280, %ne3A_283 : vector<16xi1>
      %jit3A_285 = arith.constant 11 : i32
      %broadcast_in_dim3A_286 = vector.broadcast %jit3A_285 : i32 to vector<16xi32>
      %select_n3A_287 = arith.select %and3A_284, %broadcast_in_dim3A_286, %select_n3A_279 : vector<16xi1>, vector<16xi32>
      %eq3A_288 = arith.cmpf oeq, %get3A_64, %max3A_247 : vector<16xf32>
      %ne3A_289 = arith.constant 10 : i32
      %ne3A_290 = vector.broadcast %ne3A_289 : i32 to vector<16xi32>
      %ne3A_291 = arith.cmpi ne, %select_n3A_165, %ne3A_290 : vector<16xi32>
      %and3A_292 = arith.andi %eq3A_288, %ne3A_291 : vector<16xi1>
      %jit3A_293 = arith.constant 10 : i32
      %broadcast_in_dim3A_294 = vector.broadcast %jit3A_293 : i32 to vector<16xi32>
      %select_n3A_295 = arith.select %and3A_292, %broadcast_in_dim3A_294, %select_n3A_287 : vector<16xi1>, vector<16xi32>
      %eq3A_296 = arith.cmpf oeq, %get3A_59, %max3A_247 : vector<16xf32>
      %ne3A_297 = arith.constant 9 : i32
      %ne3A_298 = vector.broadcast %ne3A_297 : i32 to vector<16xi32>
      %ne3A_299 = arith.cmpi ne, %select_n3A_165, %ne3A_298 : vector<16xi32>
      %and3A_300 = arith.andi %eq3A_296, %ne3A_299 : vector<16xi1>
      %jit3A_301 = arith.constant 9 : i32
      %broadcast_in_dim3A_302 = vector.broadcast %jit3A_301 : i32 to vector<16xi32>
      %select_n3A_303 = arith.select %and3A_300, %broadcast_in_dim3A_302, %select_n3A_295 : vector<16xi1>, vector<16xi32>
      %eq3A_304 = arith.cmpf oeq, %get3A_54, %max3A_247 : vector<16xf32>
      %ne3A_305 = arith.constant 8 : i32
      %ne3A_306 = vector.broadcast %ne3A_305 : i32 to vector<16xi32>
      %ne3A_307 = arith.cmpi ne, %select_n3A_165, %ne3A_306 : vector<16xi32>
      %and3A_308 = arith.andi %eq3A_304, %ne3A_307 : vector<16xi1>
      %jit3A_309 = arith.constant 8 : i32
      %broadcast_in_dim3A_310 = vector.broadcast %jit3A_309 : i32 to vector<16xi32>
      %select_n3A_311 = arith.select %and3A_308, %broadcast_in_dim3A_310, %select_n3A_303 : vector<16xi1>, vector<16xi32>
      %eq3A_312 = arith.cmpf oeq, %get3A_49, %max3A_247 : vector<16xf32>
      %ne3A_313 = arith.constant 7 : i32
      %ne3A_314 = vector.broadcast %ne3A_313 : i32 to vector<16xi32>
      %ne3A_315 = arith.cmpi ne, %select_n3A_165, %ne3A_314 : vector<16xi32>
      %and3A_316 = arith.andi %eq3A_312, %ne3A_315 : vector<16xi1>
      %jit3A_317 = arith.constant 7 : i32
      %broadcast_in_dim3A_318 = vector.broadcast %jit3A_317 : i32 to vector<16xi32>
      %select_n3A_319 = arith.select %and3A_316, %broadcast_in_dim3A_318, %select_n3A_311 : vector<16xi1>, vector<16xi32>
      %eq3A_320 = arith.cmpf oeq, %get3A_44, %max3A_247 : vector<16xf32>
      %ne3A_321 = arith.constant 6 : i32
      %ne3A_322 = vector.broadcast %ne3A_321 : i32 to vector<16xi32>
      %ne3A_323 = arith.cmpi ne, %select_n3A_165, %ne3A_322 : vector<16xi32>
      %and3A_324 = arith.andi %eq3A_320, %ne3A_323 : vector<16xi1>
      %jit3A_325 = arith.constant 6 : i32
      %broadcast_in_dim3A_326 = vector.broadcast %jit3A_325 : i32 to vector<16xi32>
      %select_n3A_327 = arith.select %and3A_324, %broadcast_in_dim3A_326, %select_n3A_319 : vector<16xi1>, vector<16xi32>
      %eq3A_328 = arith.cmpf oeq, %get3A_39, %max3A_247 : vector<16xf32>
      %ne3A_329 = arith.constant 5 : i32
      %ne3A_330 = vector.broadcast %ne3A_329 : i32 to vector<16xi32>
      %ne3A_331 = arith.cmpi ne, %select_n3A_165, %ne3A_330 : vector<16xi32>
      %and3A_332 = arith.andi %eq3A_328, %ne3A_331 : vector<16xi1>
      %jit3A_333 = arith.constant 5 : i32
      %broadcast_in_dim3A_334 = vector.broadcast %jit3A_333 : i32 to vector<16xi32>
      %select_n3A_335 = arith.select %and3A_332, %broadcast_in_dim3A_334, %select_n3A_327 : vector<16xi1>, vector<16xi32>
      %eq3A_336 = arith.cmpf oeq, %get3A_34, %max3A_247 : vector<16xf32>
      %ne3A_337 = arith.constant 4 : i32
      %ne3A_338 = vector.broadcast %ne3A_337 : i32 to vector<16xi32>
      %ne3A_339 = arith.cmpi ne, %select_n3A_165, %ne3A_338 : vector<16xi32>
      %and3A_340 = arith.andi %eq3A_336, %ne3A_339 : vector<16xi1>
      %jit3A_341 = arith.constant 4 : i32
      %broadcast_in_dim3A_342 = vector.broadcast %jit3A_341 : i32 to vector<16xi32>
      %select_n3A_343 = arith.select %and3A_340, %broadcast_in_dim3A_342, %select_n3A_335 : vector<16xi1>, vector<16xi32>
      %eq3A_344 = arith.cmpf oeq, %get3A_29, %max3A_247 : vector<16xf32>
      %ne3A_345 = arith.constant 3 : i32
      %ne3A_346 = vector.broadcast %ne3A_345 : i32 to vector<16xi32>
      %ne3A_347 = arith.cmpi ne, %select_n3A_165, %ne3A_346 : vector<16xi32>
      %and3A_348 = arith.andi %eq3A_344, %ne3A_347 : vector<16xi1>
      %jit3A_349 = arith.constant 3 : i32
      %broadcast_in_dim3A_350 = vector.broadcast %jit3A_349 : i32 to vector<16xi32>
      %select_n3A_351 = arith.select %and3A_348, %broadcast_in_dim3A_350, %select_n3A_343 : vector<16xi1>, vector<16xi32>
      %eq3A_352 = arith.cmpf oeq, %get3A_24, %max3A_247 : vector<16xf32>
      %ne3A_353 = arith.constant 2 : i32
      %ne3A_354 = vector.broadcast %ne3A_353 : i32 to vector<16xi32>
      %ne3A_355 = arith.cmpi ne, %select_n3A_165, %ne3A_354 : vector<16xi32>
      %and3A_356 = arith.andi %eq3A_352, %ne3A_355 : vector<16xi1>
      %jit3A_357 = arith.constant 2 : i32
      %broadcast_in_dim3A_358 = vector.broadcast %jit3A_357 : i32 to vector<16xi32>
      %select_n3A_359 = arith.select %and3A_356, %broadcast_in_dim3A_358, %select_n3A_351 : vector<16xi1>, vector<16xi32>
      %eq3A_360 = arith.cmpf oeq, %get3A_19, %max3A_247 : vector<16xf32>
      %ne3A_361 = arith.constant 1 : i32
      %ne3A_362 = vector.broadcast %ne3A_361 : i32 to vector<16xi32>
      %ne3A_363 = arith.cmpi ne, %select_n3A_165, %ne3A_362 : vector<16xi32>
      %and3A_364 = arith.andi %eq3A_360, %ne3A_363 : vector<16xi1>
      %jit3A_365 = arith.constant 1 : i32
      %broadcast_in_dim3A_366 = vector.broadcast %jit3A_365 : i32 to vector<16xi32>
      %select_n3A_367 = arith.select %and3A_364, %broadcast_in_dim3A_366, %select_n3A_359 : vector<16xi1>, vector<16xi32>
      %eq3A_368 = arith.cmpf oeq, %get3A_14, %max3A_247 : vector<16xf32>
      %ne3A_369 = arith.constant 0 : i32
      %ne3A_370 = vector.broadcast %ne3A_369 : i32 to vector<16xi32>
      %ne3A_371 = arith.cmpi ne, %select_n3A_165, %ne3A_370 : vector<16xi32>
      %and3A_372 = arith.andi %eq3A_368, %ne3A_371 : vector<16xi1>
      %jit3A_373 = arith.constant 0 : i32
      %broadcast_in_dim3A_374 = vector.broadcast %jit3A_373 : i32 to vector<16xi32>
      %select_n3A_375 = arith.select %and3A_372, %broadcast_in_dim3A_374, %select_n3A_367 : vector<16xi1>, vector<16xi32>
      %swap3A = arith.constant 0 : i32
      %swap3A_376 = arith.index_cast %swap3A : i32 to index
      %swap3A_377 = arith.index_cast %mul3A_10 : i32 to index
      %swap3A_378 = tpu.vector_load %arg5[%swap3A_376, %swap3A_377] {strides = array<i32>} : memref<2x256xi32, #tpu.memory_space<vmem>>, vector<1x16xi32>,
      %swap3A_379 = vector.shape_cast %swap3A_378 : vector<1x16xi32> to vector<16xi32>
      %swap3A_380 = vector.shape_cast %select_n3A_165 : vector<16xi32> to vector<1x16xi32>
      tpu.vector_store %arg5[%swap3A_376, %swap3A_377], %swap3A_380 {strides = array<i32>} : memref<2x256xi32, #tpu.memory_space<vmem>>, vector<1x16xi32>,
      %swap3A_381 = arith.constant 1 : i32
      %swap3A_382 = arith.index_cast %swap3A_381 : i32 to index
      %swap3A_383 = arith.index_cast %mul3A_10 : i32 to index
      %swap3A_384 = tpu.vector_load %arg5[%swap3A_382, %swap3A_383] {strides = array<i32>} : memref<2x256xi32, #tpu.memory_space<vmem>>, vector<1x16xi32>,
      %swap3A_385 = vector.shape_cast %swap3A_384 : vector<1x16xi32> to vector<16xi32>
      %swap3A_386 = vector.shape_cast %select_n3A_375 : vector<16xi32> to vector<1x16xi32>
      tpu.vector_store %arg5[%swap3A_382, %swap3A_383], %swap3A_386 {strides = array<i32>} : memref<2x256xi32, #tpu.memory_space<vmem>>, vector<1x16xi32>,
    }
    %scan3A_7 = arith.constant 16 : i32
    "tpu.region"() ({
      %run_scoped3A = tpu.sem_alloc : memref<!tpu.dma_semaphore, #tpu.memory_space<semaphore_mem>>
      %dma_start3A = arith.constant 0 : i32
      %dma_start3A_8 = tpu.memref_slice %arg3[%dma_start3A, %mul3A_2] : memref<2x8192xi32, #tpu.memory_space<hbm>> -> memref<2x256xi32, #tpu.memory_space<hbm>>
      %dma_start3A_9 = arith.constant 0 : i32
      %dma_start3A_10 = tpu.memref_slice %arg3[%dma_start3A_9, %mul3A_2] : memref<2x8192xi32, #tpu.memory_space<hbm>> -> memref<2x256xi32, #tpu.memory_space<hbm>>
      tpu.enqueue_dma source(%arg5 : memref<2x256xi32, #tpu.memory_space<vmem>>) target(%dma_start3A_10 : memref<2x256xi32, #tpu.memory_space<hbm>>) target_semaphore(%run_scoped3A : memref<!tpu.dma_semaphore, #tpu.memory_space<semaphore_mem>>)
      %dma_wait3A = arith.constant 0 : i32
      %dma_wait3A_11 = tpu.memref_slice %arg3[%dma_wait3A, %mul3A_2] : memref<2x8192xi32, #tpu.memory_space<hbm>> -> memref<2x256xi32, #tpu.memory_space<hbm>>
      %dma_wait3A_12 = arith.constant 0 : i32
      %dma_wait3A_13 = tpu.memref_slice %arg3[%dma_wait3A_12, %mul3A_2] : memref<2x8192xi32, #tpu.memory_space<hbm>> -> memref<2x256xi32, #tpu.memory_space<hbm>>
      tpu.wait_dma2 semaphore(%run_scoped3A : memref<!tpu.dma_semaphore, #tpu.memory_space<semaphore_mem>>) src(%arg5 : memref<2x256xi32, #tpu.memory_space<vmem>>) dst(%dma_wait3A_13 : memref<2x256xi32, #tpu.memory_space<hbm>>)
      tpu.yield
    }) : () -> ()
    return
  }
}

module attributes {stable_mosaic.version = 14 : i64} {
  func.func @_router_kernel(%arg0: i32, %arg1: memref<1024x2048xf32, #tpu.memory_space<vmem>>, %arg2: memref<16x2048xf32, #tpu.memory_space<vmem>>, %arg3: memref<16x8192xf32, #tpu.memory_space<vmem>>, %arg4: memref<1x1xf32, #tpu.memory_space<vmem>>, %arg5: memref<16x8192xf32, #tpu.memory_space<vmem>>, %arg6: memref<1x8192xf32, #tpu.memory_space<vmem>>) attributes {dimension_semantics = [#tpu.dimension_semantics<arbitrary>], iteration_bounds = array<i64: 8>, scalar_prefetch = 0 : i64, scratch_operands = 2 : i64, tpu.core_type = #tpu.core_type<tc>, window_params = [{transform_indices = @transform_0, window_bounds = array<i64: 1024, 2048>}, {pipeline_mode = #tpu.pipeline_mode<synchronous>, transform_indices = @transform_1, window_bounds = array<i64: 16, 2048>}, {pipeline_mode = #tpu.pipeline_mode<synchronous>, transform_indices = @transform_2, window_bounds = array<i64: 16, 8192>}, {pipeline_mode = #tpu.pipeline_mode<synchronous>, transform_indices = @transform_3, window_bounds = array<i64: 1, 1>}]} {
    %get3A = arith.constant 0 : index
    %get3A_0 = arith.constant 0 : index
    %get3A_1 = vector.load %arg1[%get3A, %get3A_0] : memref<1024x2048xf32, #tpu.memory_space<vmem>>, vector<1024x2048xf32>
    %get3A_2 = arith.constant 0 : index
    %get3A_3 = arith.constant 0 : index
    %get3A_4 = vector.load %arg2[%get3A_2, %get3A_3] : memref<16x2048xf32, #tpu.memory_space<vmem>>, vector<16x2048xf32>
    %dot_general3A = arith.constant dense<0.000000e+00> : vector<16x1024xf32>
    %dot_general3A_5 = tpu.matmul %get3A_4, %get3A_1, %dot_general3A {dimension_numbers = #tpu.dot_dimension_numbers<[1], [1], [0], [0], [0, 0, 1, 0], [], []>, transpose_lhs_hint = false} : vector<16x2048xf32>, vector<1024x2048xf32>, vector<16x1024xf32> -> vector<16x1024xf32>
    %mul3A = arith.constant -2.000000e+01 : f32
    %mul3A_6 = vector.broadcast %mul3A : f32 to vector<16x1024xf32>
    %mul3A_7 = arith.mulf %dot_general3A_5, %mul3A_6 : vector<16x1024xf32>
    %reduce_max3A = arith.constant dense<0xFF800000> : vector<1024xf32>
    %reduce_max3A_8 = vector.multi_reduction <maximumf>, %mul3A_7, %reduce_max3A [0] : vector<16x1024xf32> to vector<1024xf32>
    %broadcast_in_dim3A = vector.shape_cast %reduce_max3A_8 : vector<1024xf32> to vector<1x1024xf32>
    %sub3A = vector.broadcast %broadcast_in_dim3A : vector<1x1024xf32> to vector<16x1024xf32>
    %sub3A_9 = arith.subf %mul3A_7, %sub3A : vector<16x1024xf32>
    %exp3A = math.exp %sub3A_9 : vector<16x1024xf32>
    %mul3A_10 = arith.constant 1024 : i32
    %mul3A_11 = arith.muli %arg0, %mul3A_10 : i32
    %swap3A = arith.constant 0 : index
    %swap3A_12 = arith.index_cast %mul3A_11 : i32 to index
    %swap3A_13 = vector.load %arg5[%swap3A, %swap3A_12] : memref<16x8192xf32, #tpu.memory_space<vmem>>, vector<16x1024xf32>
    tpu.vector_store %arg5[%swap3A, %swap3A_12], %exp3A {strides = array<i32>} : memref<16x8192xf32, #tpu.memory_space<vmem>>, vector<16x1024xf32>,
    %reduce_sum3A = arith.constant dense<0.000000e+00> : vector<1024xf32>
    %reduce_sum3A_14 = vector.multi_reduction <add>, %exp3A, %reduce_sum3A [0] : vector<16x1024xf32> to vector<1024xf32>
    %broadcast_in_dim3A_15 = vector.shape_cast %reduce_sum3A_14 : vector<1024xf32> to vector<1x1024xf32>
    %div3A = arith.constant 1.000000e+00 : f32
    %div3A_16 = vector.broadcast %div3A : f32 to vector<1x1024xf32>
    %div3A_17 = arith.divf %div3A_16, %broadcast_in_dim3A_15 : vector<1x1024xf32>
    %mul3A_18 = arith.constant 1024 : i32
    %mul3A_19 = arith.muli %arg0, %mul3A_18 : i32
    %swap3A_20 = arith.constant 0 : index
    %swap3A_21 = arith.index_cast %mul3A_19 : i32 to index
    %swap3A_22 = vector.load %arg6[%swap3A_20, %swap3A_21] : memref<1x8192xf32, #tpu.memory_space<vmem>>, vector<1x1024xf32>
    tpu.vector_store %arg6[%swap3A_20, %swap3A_21], %div3A_17 {strides = array<i32>} : memref<1x8192xf32, #tpu.memory_space<vmem>>, vector<1x1024xf32>,
    %eq3A = arith.constant 7 : i32
    %eq3A_23 = arith.cmpi eq, %arg0, %eq3A : i32
    %convert_element_type3A = arith.extui %eq3A_23 : i1 to i32
    %cond3A = arith.constant 0 : i32
    %cond3A_24 = arith.cmpi ne, %convert_element_type3A, %cond3A : i32
    scf.if %cond3A_24 {
      %get3A_25 = arith.constant 0 : index
      %get3A_26 = arith.constant 0 : index
      %get3A_27 = vector.load %arg6[%get3A_25, %get3A_26] : memref<1x8192xf32, #tpu.memory_space<vmem>>, vector<1x8192xf32>
      %get3A_28 = arith.constant 0 : index
      %get3A_29 = arith.constant 0 : index
      %get3A_30 = vector.load %arg5[%get3A_28, %get3A_29] : memref<16x8192xf32, #tpu.memory_space<vmem>>, vector<16x8192xf32>
      %mul3A_31 = vector.broadcast %get3A_27 : vector<1x8192xf32> to vector<16x8192xf32>
      %mul3A_32 = arith.mulf %get3A_30, %mul3A_31 : vector<16x8192xf32>
      %reduce_sum3A_33 = arith.constant dense<0.000000e+00> : vector<16xf32>
      %reduce_sum3A_34 = vector.multi_reduction <add>, %mul3A_32, %reduce_sum3A_33 [1] : vector<16x8192xf32> to vector<16xf32>
      %broadcast_in_dim3A_35 = vector.shape_cast %reduce_sum3A_34 : vector<16xf32> to vector<16x1xf32>
      %div3A_36 = arith.constant 5.120000e+02 : f32
      %div3A_37 = vector.broadcast %div3A_36 : f32 to vector<16x1xf32>
      %div3A_38 = arith.divf %div3A_37, %broadcast_in_dim3A_35 : vector<16x1xf32>
      %mul3A_39 = vector.broadcast %div3A_38 : vector<16x1xf32> to vector<16x8192xf32>
      %mul3A_40 = arith.mulf %get3A_30, %mul3A_39 : vector<16x8192xf32>
      %reduce_sum3A_41 = arith.constant dense<0.000000e+00> : vector<8192xf32>
      %reduce_sum3A_42 = vector.multi_reduction <add>, %mul3A_40, %reduce_sum3A_41 [0] : vector<16x8192xf32> to vector<8192xf32>
      %broadcast_in_dim3A_43 = vector.shape_cast %reduce_sum3A_42 : vector<8192xf32> to vector<1x8192xf32>
      %div3A_44 = arith.constant 1.000000e+00 : f32
      %div3A_45 = vector.broadcast %div3A_44 : f32 to vector<1x8192xf32>
      %div3A_46 = arith.divf %div3A_45, %broadcast_in_dim3A_43 : vector<1x8192xf32>
      %get3A_47 = arith.constant 0 : index
      %get3A_48 = arith.constant 0 : index
      %get3A_49 = vector.load %arg5[%get3A_47, %get3A_48] : memref<16x8192xf32, #tpu.memory_space<vmem>>, vector<16x8192xf32>
      %mul3A_50 = vector.broadcast %div3A_46 : vector<1x8192xf32> to vector<16x8192xf32>
      %mul3A_51 = arith.mulf %get3A_49, %mul3A_50 : vector<16x8192xf32>
      %reduce_sum3A_52 = arith.constant dense<0.000000e+00> : vector<16xf32>
      %reduce_sum3A_53 = vector.multi_reduction <add>, %mul3A_51, %reduce_sum3A_52 [1] : vector<16x8192xf32> to vector<16xf32>
      %broadcast_in_dim3A_54 = vector.shape_cast %reduce_sum3A_53 : vector<16xf32> to vector<16x1xf32>
      %div3A_55 = arith.constant 5.120000e+02 : f32
      %div3A_56 = vector.broadcast %div3A_55 : f32 to vector<16x1xf32>
      %div3A_57 = arith.divf %div3A_56, %broadcast_in_dim3A_54 : vector<16x1xf32>
      %mul3A_58 = vector.broadcast %div3A_57 : vector<16x1xf32> to vector<16x8192xf32>
      %mul3A_59 = arith.mulf %get3A_49, %mul3A_58 : vector<16x8192xf32>
      %reduce_sum3A_60 = arith.constant dense<0.000000e+00> : vector<8192xf32>
      %reduce_sum3A_61 = vector.multi_reduction <add>, %mul3A_59, %reduce_sum3A_60 [0] : vector<16x8192xf32> to vector<8192xf32>
      %broadcast_in_dim3A_62 = vector.shape_cast %reduce_sum3A_61 : vector<8192xf32> to vector<1x8192xf32>
      %div3A_63 = arith.constant 1.000000e+00 : f32
      %div3A_64 = vector.broadcast %div3A_63 : f32 to vector<1x8192xf32>
      %div3A_65 = arith.divf %div3A_64, %broadcast_in_dim3A_62 : vector<1x8192xf32>
      %get3A_66 = arith.constant 0 : index
      %get3A_67 = arith.constant 0 : index
      %get3A_68 = vector.load %arg5[%get3A_66, %get3A_67] : memref<16x8192xf32, #tpu.memory_space<vmem>>, vector<16x8192xf32>
      %mul3A_69 = vector.broadcast %div3A_65 : vector<1x8192xf32> to vector<16x8192xf32>
      %mul3A_70 = arith.mulf %get3A_68, %mul3A_69 : vector<16x8192xf32>
      %reduce_sum3A_71 = arith.constant dense<0.000000e+00> : vector<16xf32>
      %reduce_sum3A_72 = vector.multi_reduction <add>, %mul3A_70, %reduce_sum3A_71 [1] : vector<16x8192xf32> to vector<16xf32>
      %broadcast_in_dim3A_73 = vector.shape_cast %reduce_sum3A_72 : vector<16xf32> to vector<16x1xf32>
      %div3A_74 = arith.constant 5.120000e+02 : f32
      %div3A_75 = vector.broadcast %div3A_74 : f32 to vector<16x1xf32>
      %div3A_76 = arith.divf %div3A_75, %broadcast_in_dim3A_73 : vector<16x1xf32>
      %mul3A_77 = vector.broadcast %div3A_76 : vector<16x1xf32> to vector<16x8192xf32>
      %mul3A_78 = arith.mulf %get3A_68, %mul3A_77 : vector<16x8192xf32>
      %reduce_sum3A_79 = arith.constant dense<0.000000e+00> : vector<8192xf32>
      %reduce_sum3A_80 = vector.multi_reduction <add>, %mul3A_78, %reduce_sum3A_79 [0] : vector<16x8192xf32> to vector<8192xf32>
      %broadcast_in_dim3A_81 = vector.shape_cast %reduce_sum3A_80 : vector<8192xf32> to vector<1x8192xf32>
      %div3A_82 = arith.constant 1.000000e+00 : f32
      %div3A_83 = vector.broadcast %div3A_82 : f32 to vector<1x8192xf32>
      %div3A_84 = arith.divf %div3A_83, %broadcast_in_dim3A_81 : vector<1x8192xf32>
      %get3A_85 = arith.constant 0 : index
      %get3A_86 = arith.constant 0 : index
      %get3A_87 = vector.load %arg5[%get3A_85, %get3A_86] : memref<16x8192xf32, #tpu.memory_space<vmem>>, vector<16x8192xf32>
      %mul3A_88 = vector.broadcast %div3A_84 : vector<1x8192xf32> to vector<16x8192xf32>
      %mul3A_89 = arith.mulf %get3A_87, %mul3A_88 : vector<16x8192xf32>
      %reduce_sum3A_90 = arith.constant dense<0.000000e+00> : vector<16xf32>
      %reduce_sum3A_91 = vector.multi_reduction <add>, %mul3A_89, %reduce_sum3A_90 [1] : vector<16x8192xf32> to vector<16xf32>
      %broadcast_in_dim3A_92 = vector.shape_cast %reduce_sum3A_91 : vector<16xf32> to vector<16x1xf32>
      %div3A_93 = arith.constant 5.120000e+02 : f32
      %div3A_94 = vector.broadcast %div3A_93 : f32 to vector<16x1xf32>
      %div3A_95 = arith.divf %div3A_94, %broadcast_in_dim3A_92 : vector<16x1xf32>
      %mul3A_96 = vector.broadcast %div3A_95 : vector<16x1xf32> to vector<16x8192xf32>
      %mul3A_97 = arith.mulf %get3A_87, %mul3A_96 : vector<16x8192xf32>
      %reduce_sum3A_98 = arith.constant dense<0.000000e+00> : vector<8192xf32>
      %reduce_sum3A_99 = vector.multi_reduction <add>, %mul3A_97, %reduce_sum3A_98 [0] : vector<16x8192xf32> to vector<8192xf32>
      %broadcast_in_dim3A_100 = vector.shape_cast %reduce_sum3A_99 : vector<8192xf32> to vector<1x8192xf32>
      %div3A_101 = arith.constant 1.000000e+00 : f32
      %div3A_102 = vector.broadcast %div3A_101 : f32 to vector<1x8192xf32>
      %div3A_103 = arith.divf %div3A_102, %broadcast_in_dim3A_100 : vector<1x8192xf32>
      %get3A_104 = arith.constant 0 : index
      %get3A_105 = arith.constant 0 : index
      %get3A_106 = vector.load %arg5[%get3A_104, %get3A_105] : memref<16x8192xf32, #tpu.memory_space<vmem>>, vector<16x8192xf32>
      %mul3A_107 = vector.broadcast %div3A_103 : vector<1x8192xf32> to vector<16x8192xf32>
      %mul3A_108 = arith.mulf %get3A_106, %mul3A_107 : vector<16x8192xf32>
      %reduce_sum3A_109 = arith.constant dense<0.000000e+00> : vector<16xf32>
      %reduce_sum3A_110 = vector.multi_reduction <add>, %mul3A_108, %reduce_sum3A_109 [1] : vector<16x8192xf32> to vector<16xf32>
      %broadcast_in_dim3A_111 = vector.shape_cast %reduce_sum3A_110 : vector<16xf32> to vector<16x1xf32>
      %div3A_112 = arith.constant 5.120000e+02 : f32
      %div3A_113 = vector.broadcast %div3A_112 : f32 to vector<16x1xf32>
      %div3A_114 = arith.divf %div3A_113, %broadcast_in_dim3A_111 : vector<16x1xf32>
      %mul3A_115 = vector.broadcast %div3A_114 : vector<16x1xf32> to vector<16x8192xf32>
      %mul3A_116 = arith.mulf %get3A_106, %mul3A_115 : vector<16x8192xf32>
      %reduce_sum3A_117 = arith.constant dense<0.000000e+00> : vector<8192xf32>
      %reduce_sum3A_118 = vector.multi_reduction <add>, %mul3A_116, %reduce_sum3A_117 [0] : vector<16x8192xf32> to vector<8192xf32>
      %broadcast_in_dim3A_119 = vector.shape_cast %reduce_sum3A_118 : vector<8192xf32> to vector<1x8192xf32>
      %div3A_120 = arith.constant 1.000000e+00 : f32
      %div3A_121 = vector.broadcast %div3A_120 : f32 to vector<1x8192xf32>
      %div3A_122 = arith.divf %div3A_121, %broadcast_in_dim3A_119 : vector<1x8192xf32>
      %get3A_123 = arith.constant 0 : index
      %get3A_124 = arith.constant 0 : index
      %get3A_125 = vector.load %arg5[%get3A_123, %get3A_124] : memref<16x8192xf32, #tpu.memory_space<vmem>>, vector<16x8192xf32>
      %mul3A_126 = vector.broadcast %div3A_122 : vector<1x8192xf32> to vector<16x8192xf32>
      %mul3A_127 = arith.mulf %get3A_125, %mul3A_126 : vector<16x8192xf32>
      %reduce_sum3A_128 = arith.constant dense<0.000000e+00> : vector<16xf32>
      %reduce_sum3A_129 = vector.multi_reduction <add>, %mul3A_127, %reduce_sum3A_128 [1] : vector<16x8192xf32> to vector<16xf32>
      %broadcast_in_dim3A_130 = vector.shape_cast %reduce_sum3A_129 : vector<16xf32> to vector<16x1xf32>
      %div3A_131 = arith.constant 5.120000e+02 : f32
      %div3A_132 = vector.broadcast %div3A_131 : f32 to vector<16x1xf32>
      %div3A_133 = arith.divf %div3A_132, %broadcast_in_dim3A_130 : vector<16x1xf32>
      %mul3A_134 = vector.broadcast %div3A_133 : vector<16x1xf32> to vector<16x8192xf32>
      %mul3A_135 = arith.mulf %get3A_125, %mul3A_134 : vector<16x8192xf32>
      %reduce_sum3A_136 = arith.constant dense<0.000000e+00> : vector<8192xf32>
      %reduce_sum3A_137 = vector.multi_reduction <add>, %mul3A_135, %reduce_sum3A_136 [0] : vector<16x8192xf32> to vector<8192xf32>
      %broadcast_in_dim3A_138 = vector.shape_cast %reduce_sum3A_137 : vector<8192xf32> to vector<1x8192xf32>
      %div3A_139 = arith.constant 1.000000e+00 : f32
      %div3A_140 = vector.broadcast %div3A_139 : f32 to vector<1x8192xf32>
      %div3A_141 = arith.divf %div3A_140, %broadcast_in_dim3A_138 : vector<1x8192xf32>
      %get3A_142 = arith.constant 0 : index
      %get3A_143 = arith.constant 0 : index
      %get3A_144 = vector.load %arg5[%get3A_142, %get3A_143] : memref<16x8192xf32, #tpu.memory_space<vmem>>, vector<16x8192xf32>
      %mul3A_145 = vector.broadcast %div3A_141 : vector<1x8192xf32> to vector<16x8192xf32>
      %mul3A_146 = arith.mulf %get3A_144, %mul3A_145 : vector<16x8192xf32>
      %reduce_sum3A_147 = arith.constant dense<0.000000e+00> : vector<16xf32>
      %reduce_sum3A_148 = vector.multi_reduction <add>, %mul3A_146, %reduce_sum3A_147 [1] : vector<16x8192xf32> to vector<16xf32>
      %broadcast_in_dim3A_149 = vector.shape_cast %reduce_sum3A_148 : vector<16xf32> to vector<16x1xf32>
      %div3A_150 = arith.constant 5.120000e+02 : f32
      %div3A_151 = vector.broadcast %div3A_150 : f32 to vector<16x1xf32>
      %div3A_152 = arith.divf %div3A_151, %broadcast_in_dim3A_149 : vector<16x1xf32>
      %mul3A_153 = vector.broadcast %div3A_152 : vector<16x1xf32> to vector<16x8192xf32>
      %mul3A_154 = arith.mulf %get3A_144, %mul3A_153 : vector<16x8192xf32>
      %reduce_sum3A_155 = arith.constant dense<0.000000e+00> : vector<8192xf32>
      %reduce_sum3A_156 = vector.multi_reduction <add>, %mul3A_154, %reduce_sum3A_155 [0] : vector<16x8192xf32> to vector<8192xf32>
      %broadcast_in_dim3A_157 = vector.shape_cast %reduce_sum3A_156 : vector<8192xf32> to vector<1x8192xf32>
      %div3A_158 = arith.constant 1.000000e+00 : f32
      %div3A_159 = vector.broadcast %div3A_158 : f32 to vector<1x8192xf32>
      %div3A_160 = arith.divf %div3A_159, %broadcast_in_dim3A_157 : vector<1x8192xf32>
      %get3A_161 = arith.constant 0 : index
      %get3A_162 = arith.constant 0 : index
      %get3A_163 = vector.load %arg5[%get3A_161, %get3A_162] : memref<16x8192xf32, #tpu.memory_space<vmem>>, vector<16x8192xf32>
      %mul3A_164 = vector.broadcast %div3A_160 : vector<1x8192xf32> to vector<16x8192xf32>
      %mul3A_165 = arith.mulf %get3A_163, %mul3A_164 : vector<16x8192xf32>
      %reduce_sum3A_166 = arith.constant dense<0.000000e+00> : vector<16xf32>
      %reduce_sum3A_167 = vector.multi_reduction <add>, %mul3A_165, %reduce_sum3A_166 [1] : vector<16x8192xf32> to vector<16xf32>
      %broadcast_in_dim3A_168 = vector.shape_cast %reduce_sum3A_167 : vector<16xf32> to vector<16x1xf32>
      %div3A_169 = arith.constant 5.120000e+02 : f32
      %div3A_170 = vector.broadcast %div3A_169 : f32 to vector<16x1xf32>
      %div3A_171 = arith.divf %div3A_170, %broadcast_in_dim3A_168 : vector<16x1xf32>
      %mul3A_172 = vector.broadcast %div3A_171 : vector<16x1xf32> to vector<16x8192xf32>
      %mul3A_173 = arith.mulf %get3A_163, %mul3A_172 : vector<16x8192xf32>
      %reduce_sum3A_174 = arith.constant dense<0.000000e+00> : vector<8192xf32>
      %reduce_sum3A_175 = vector.multi_reduction <add>, %mul3A_173, %reduce_sum3A_174 [0] : vector<16x8192xf32> to vector<8192xf32>
      %broadcast_in_dim3A_176 = vector.shape_cast %reduce_sum3A_175 : vector<8192xf32> to vector<1x8192xf32>
      %div3A_177 = arith.constant 1.000000e+00 : f32
      %div3A_178 = vector.broadcast %div3A_177 : f32 to vector<1x8192xf32>
      %div3A_179 = arith.divf %div3A_178, %broadcast_in_dim3A_176 : vector<1x8192xf32>
      %get3A_180 = arith.constant 0 : index
      %get3A_181 = arith.constant 0 : index
      %get3A_182 = vector.load %arg5[%get3A_180, %get3A_181] : memref<16x8192xf32, #tpu.memory_space<vmem>>, vector<16x8192xf32>
      %mul3A_183 = vector.broadcast %div3A_179 : vector<1x8192xf32> to vector<16x8192xf32>
      %mul3A_184 = arith.mulf %get3A_182, %mul3A_183 : vector<16x8192xf32>
      %reduce_sum3A_185 = arith.constant dense<0.000000e+00> : vector<16xf32>
      %reduce_sum3A_186 = vector.multi_reduction <add>, %mul3A_184, %reduce_sum3A_185 [1] : vector<16x8192xf32> to vector<16xf32>
      %broadcast_in_dim3A_187 = vector.shape_cast %reduce_sum3A_186 : vector<16xf32> to vector<16x1xf32>
      %div3A_188 = arith.constant 5.120000e+02 : f32
      %div3A_189 = vector.broadcast %div3A_188 : f32 to vector<16x1xf32>
      %div3A_190 = arith.divf %div3A_189, %broadcast_in_dim3A_187 : vector<16x1xf32>
      %mul3A_191 = vector.broadcast %div3A_190 : vector<16x1xf32> to vector<16x8192xf32>
      %mul3A_192 = arith.mulf %get3A_182, %mul3A_191 : vector<16x8192xf32>
      %reduce_sum3A_193 = arith.constant dense<0.000000e+00> : vector<8192xf32>
      %reduce_sum3A_194 = vector.multi_reduction <add>, %mul3A_192, %reduce_sum3A_193 [0] : vector<16x8192xf32> to vector<8192xf32>
      %broadcast_in_dim3A_195 = vector.shape_cast %reduce_sum3A_194 : vector<8192xf32> to vector<1x8192xf32>
      %div3A_196 = arith.constant 1.000000e+00 : f32
      %div3A_197 = vector.broadcast %div3A_196 : f32 to vector<1x8192xf32>
      %div3A_198 = arith.divf %div3A_197, %broadcast_in_dim3A_195 : vector<1x8192xf32>
      %get3A_199 = arith.constant 0 : index
      %get3A_200 = arith.constant 0 : index
      %get3A_201 = vector.load %arg5[%get3A_199, %get3A_200] : memref<16x8192xf32, #tpu.memory_space<vmem>>, vector<16x8192xf32>
      %mul3A_202 = vector.broadcast %div3A_198 : vector<1x8192xf32> to vector<16x8192xf32>
      %mul3A_203 = arith.mulf %get3A_201, %mul3A_202 : vector<16x8192xf32>
      %reduce_sum3A_204 = arith.constant dense<0.000000e+00> : vector<16xf32>
      %reduce_sum3A_205 = vector.multi_reduction <add>, %mul3A_203, %reduce_sum3A_204 [1] : vector<16x8192xf32> to vector<16xf32>
      %broadcast_in_dim3A_206 = vector.shape_cast %reduce_sum3A_205 : vector<16xf32> to vector<16x1xf32>
      %div3A_207 = arith.constant 5.120000e+02 : f32
      %div3A_208 = vector.broadcast %div3A_207 : f32 to vector<16x1xf32>
      %div3A_209 = arith.divf %div3A_208, %broadcast_in_dim3A_206 : vector<16x1xf32>
      %mul3A_210 = vector.broadcast %div3A_209 : vector<16x1xf32> to vector<16x8192xf32>
      %mul3A_211 = arith.mulf %get3A_201, %mul3A_210 : vector<16x8192xf32>
      %reduce_sum3A_212 = arith.constant dense<0.000000e+00> : vector<8192xf32>
      %reduce_sum3A_213 = vector.multi_reduction <add>, %mul3A_211, %reduce_sum3A_212 [0] : vector<16x8192xf32> to vector<8192xf32>
      %broadcast_in_dim3A_214 = vector.shape_cast %reduce_sum3A_213 : vector<8192xf32> to vector<1x8192xf32>
      %div3A_215 = arith.constant 1.000000e+00 : f32
      %div3A_216 = vector.broadcast %div3A_215 : f32 to vector<1x8192xf32>
      %div3A_217 = arith.divf %div3A_216, %broadcast_in_dim3A_214 : vector<1x8192xf32>
      %get3A_218 = arith.constant 0 : index
      %get3A_219 = arith.constant 0 : index
      %get3A_220 = vector.load %arg5[%get3A_218, %get3A_219] : memref<16x8192xf32, #tpu.memory_space<vmem>>, vector<16x8192xf32>
      %mul3A_221 = vector.broadcast %div3A_217 : vector<1x8192xf32> to vector<16x8192xf32>
      %mul3A_222 = arith.mulf %get3A_220, %mul3A_221 : vector<16x8192xf32>
      %reduce_sum3A_223 = arith.constant dense<0.000000e+00> : vector<16xf32>
      %reduce_sum3A_224 = vector.multi_reduction <add>, %mul3A_222, %reduce_sum3A_223 [1] : vector<16x8192xf32> to vector<16xf32>
      %broadcast_in_dim3A_225 = vector.shape_cast %reduce_sum3A_224 : vector<16xf32> to vector<16x1xf32>
      %div3A_226 = arith.constant 5.120000e+02 : f32
      %div3A_227 = vector.broadcast %div3A_226 : f32 to vector<16x1xf32>
      %div3A_228 = arith.divf %div3A_227, %broadcast_in_dim3A_225 : vector<16x1xf32>
      %mul3A_229 = vector.broadcast %div3A_228 : vector<16x1xf32> to vector<16x8192xf32>
      %mul3A_230 = arith.mulf %get3A_220, %mul3A_229 : vector<16x8192xf32>
      %reduce_sum3A_231 = arith.constant dense<0.000000e+00> : vector<8192xf32>
      %reduce_sum3A_232 = vector.multi_reduction <add>, %mul3A_230, %reduce_sum3A_231 [0] : vector<16x8192xf32> to vector<8192xf32>
      %broadcast_in_dim3A_233 = vector.shape_cast %reduce_sum3A_232 : vector<8192xf32> to vector<1x8192xf32>
      %div3A_234 = arith.constant 1.000000e+00 : f32
      %div3A_235 = vector.broadcast %div3A_234 : f32 to vector<1x8192xf32>
      %div3A_236 = arith.divf %div3A_235, %broadcast_in_dim3A_233 : vector<1x8192xf32>
      %get3A_237 = arith.constant 0 : index
      %get3A_238 = arith.constant 0 : index
      %get3A_239 = vector.load %arg5[%get3A_237, %get3A_238] : memref<16x8192xf32, #tpu.memory_space<vmem>>, vector<16x8192xf32>
      %mul3A_240 = vector.broadcast %div3A_236 : vector<1x8192xf32> to vector<16x8192xf32>
      %mul3A_241 = arith.mulf %get3A_239, %mul3A_240 : vector<16x8192xf32>
      %reduce_sum3A_242 = arith.constant dense<0.000000e+00> : vector<16xf32>
      %reduce_sum3A_243 = vector.multi_reduction <add>, %mul3A_241, %reduce_sum3A_242 [1] : vector<16x8192xf32> to vector<16xf32>
      %broadcast_in_dim3A_244 = vector.shape_cast %reduce_sum3A_243 : vector<16xf32> to vector<16x1xf32>
      %div3A_245 = arith.constant 5.120000e+02 : f32
      %div3A_246 = vector.broadcast %div3A_245 : f32 to vector<16x1xf32>
      %div3A_247 = arith.divf %div3A_246, %broadcast_in_dim3A_244 : vector<16x1xf32>
      %mul3A_248 = vector.broadcast %div3A_247 : vector<16x1xf32> to vector<16x8192xf32>
      %mul3A_249 = arith.mulf %get3A_239, %mul3A_248 : vector<16x8192xf32>
      %reduce_sum3A_250 = arith.constant dense<0.000000e+00> : vector<8192xf32>
      %reduce_sum3A_251 = vector.multi_reduction <add>, %mul3A_249, %reduce_sum3A_250 [0] : vector<16x8192xf32> to vector<8192xf32>
      %broadcast_in_dim3A_252 = vector.shape_cast %reduce_sum3A_251 : vector<8192xf32> to vector<1x8192xf32>
      %div3A_253 = arith.constant 1.000000e+00 : f32
      %div3A_254 = vector.broadcast %div3A_253 : f32 to vector<1x8192xf32>
      %div3A_255 = arith.divf %div3A_254, %broadcast_in_dim3A_252 : vector<1x8192xf32>
      %get3A_256 = arith.constant 0 : index
      %get3A_257 = arith.constant 0 : index
      %get3A_258 = vector.load %arg5[%get3A_256, %get3A_257] : memref<16x8192xf32, #tpu.memory_space<vmem>>, vector<16x8192xf32>
      %mul3A_259 = vector.broadcast %div3A_255 : vector<1x8192xf32> to vector<16x8192xf32>
      %mul3A_260 = arith.mulf %get3A_258, %mul3A_259 : vector<16x8192xf32>
      %reduce_sum3A_261 = arith.constant dense<0.000000e+00> : vector<16xf32>
      %reduce_sum3A_262 = vector.multi_reduction <add>, %mul3A_260, %reduce_sum3A_261 [1] : vector<16x8192xf32> to vector<16xf32>
      %broadcast_in_dim3A_263 = vector.shape_cast %reduce_sum3A_262 : vector<16xf32> to vector<16x1xf32>
      %div3A_264 = arith.constant 5.120000e+02 : f32
      %div3A_265 = vector.broadcast %div3A_264 : f32 to vector<16x1xf32>
      %div3A_266 = arith.divf %div3A_265, %broadcast_in_dim3A_263 : vector<16x1xf32>
      %mul3A_267 = vector.broadcast %div3A_266 : vector<16x1xf32> to vector<16x8192xf32>
      %mul3A_268 = arith.mulf %get3A_258, %mul3A_267 : vector<16x8192xf32>
      %reduce_sum3A_269 = arith.constant dense<0.000000e+00> : vector<8192xf32>
      %reduce_sum3A_270 = vector.multi_reduction <add>, %mul3A_268, %reduce_sum3A_269 [0] : vector<16x8192xf32> to vector<8192xf32>
      %broadcast_in_dim3A_271 = vector.shape_cast %reduce_sum3A_270 : vector<8192xf32> to vector<1x8192xf32>
      %div3A_272 = arith.constant 1.000000e+00 : f32
      %div3A_273 = vector.broadcast %div3A_272 : f32 to vector<1x8192xf32>
      %div3A_274 = arith.divf %div3A_273, %broadcast_in_dim3A_271 : vector<1x8192xf32>
      %get3A_275 = arith.constant 0 : index
      %get3A_276 = arith.constant 0 : index
      %get3A_277 = vector.load %arg5[%get3A_275, %get3A_276] : memref<16x8192xf32, #tpu.memory_space<vmem>>, vector<16x8192xf32>
      %mul3A_278 = vector.broadcast %div3A_274 : vector<1x8192xf32> to vector<16x8192xf32>
      %mul3A_279 = arith.mulf %get3A_277, %mul3A_278 : vector<16x8192xf32>
      %reduce_sum3A_280 = arith.constant dense<0.000000e+00> : vector<16xf32>
      %reduce_sum3A_281 = vector.multi_reduction <add>, %mul3A_279, %reduce_sum3A_280 [1] : vector<16x8192xf32> to vector<16xf32>
      %broadcast_in_dim3A_282 = vector.shape_cast %reduce_sum3A_281 : vector<16xf32> to vector<16x1xf32>
      %div3A_283 = arith.constant 5.120000e+02 : f32
      %div3A_284 = vector.broadcast %div3A_283 : f32 to vector<16x1xf32>
      %div3A_285 = arith.divf %div3A_284, %broadcast_in_dim3A_282 : vector<16x1xf32>
      %mul3A_286 = vector.broadcast %div3A_285 : vector<16x1xf32> to vector<16x8192xf32>
      %mul3A_287 = arith.mulf %get3A_277, %mul3A_286 : vector<16x8192xf32>
      %reduce_sum3A_288 = arith.constant dense<0.000000e+00> : vector<8192xf32>
      %reduce_sum3A_289 = vector.multi_reduction <add>, %mul3A_287, %reduce_sum3A_288 [0] : vector<16x8192xf32> to vector<8192xf32>
      %broadcast_in_dim3A_290 = vector.shape_cast %reduce_sum3A_289 : vector<8192xf32> to vector<1x8192xf32>
      %div3A_291 = arith.constant 1.000000e+00 : f32
      %div3A_292 = vector.broadcast %div3A_291 : f32 to vector<1x8192xf32>
      %div3A_293 = arith.divf %div3A_292, %broadcast_in_dim3A_290 : vector<1x8192xf32>
      %get3A_294 = arith.constant 0 : index
      %get3A_295 = arith.constant 0 : index
      %get3A_296 = vector.load %arg5[%get3A_294, %get3A_295] : memref<16x8192xf32, #tpu.memory_space<vmem>>, vector<16x8192xf32>
      %mul3A_297 = vector.broadcast %div3A_293 : vector<1x8192xf32> to vector<16x8192xf32>
      %mul3A_298 = arith.mulf %get3A_296, %mul3A_297 : vector<16x8192xf32>
      %reduce_sum3A_299 = arith.constant dense<0.000000e+00> : vector<16xf32>
      %reduce_sum3A_300 = vector.multi_reduction <add>, %mul3A_298, %reduce_sum3A_299 [1] : vector<16x8192xf32> to vector<16xf32>
      %broadcast_in_dim3A_301 = vector.shape_cast %reduce_sum3A_300 : vector<16xf32> to vector<16x1xf32>
      %div3A_302 = arith.constant 5.120000e+02 : f32
      %div3A_303 = vector.broadcast %div3A_302 : f32 to vector<16x1xf32>
      %div3A_304 = arith.divf %div3A_303, %broadcast_in_dim3A_301 : vector<16x1xf32>
      %mul3A_305 = vector.broadcast %div3A_304 : vector<16x1xf32> to vector<16x8192xf32>
      %mul3A_306 = arith.mulf %get3A_296, %mul3A_305 : vector<16x8192xf32>
      %reduce_sum3A_307 = arith.constant dense<0.000000e+00> : vector<8192xf32>
      %reduce_sum3A_308 = vector.multi_reduction <add>, %mul3A_306, %reduce_sum3A_307 [0] : vector<16x8192xf32> to vector<8192xf32>
      %broadcast_in_dim3A_309 = vector.shape_cast %reduce_sum3A_308 : vector<8192xf32> to vector<1x8192xf32>
      %div3A_310 = arith.constant 1.000000e+00 : f32
      %div3A_311 = vector.broadcast %div3A_310 : f32 to vector<1x8192xf32>
      %div3A_312 = arith.divf %div3A_311, %broadcast_in_dim3A_309 : vector<1x8192xf32>
      %get3A_313 = arith.constant 0 : index
      %get3A_314 = arith.constant 0 : index
      %get3A_315 = vector.load %arg5[%get3A_313, %get3A_314] : memref<16x8192xf32, #tpu.memory_space<vmem>>, vector<16x8192xf32>
      %mul3A_316 = vector.broadcast %div3A_312 : vector<1x8192xf32> to vector<16x8192xf32>
      %mul3A_317 = arith.mulf %get3A_315, %mul3A_316 : vector<16x8192xf32>
      %reduce_sum3A_318 = arith.constant dense<0.000000e+00> : vector<16xf32>
      %reduce_sum3A_319 = vector.multi_reduction <add>, %mul3A_317, %reduce_sum3A_318 [1] : vector<16x8192xf32> to vector<16xf32>
      %broadcast_in_dim3A_320 = vector.shape_cast %reduce_sum3A_319 : vector<16xf32> to vector<16x1xf32>
      %div3A_321 = arith.constant 5.120000e+02 : f32
      %div3A_322 = vector.broadcast %div3A_321 : f32 to vector<16x1xf32>
      %div3A_323 = arith.divf %div3A_322, %broadcast_in_dim3A_320 : vector<16x1xf32>
      %mul3A_324 = vector.broadcast %div3A_323 : vector<16x1xf32> to vector<16x8192xf32>
      %mul3A_325 = arith.mulf %get3A_315, %mul3A_324 : vector<16x8192xf32>
      %reduce_sum3A_326 = arith.constant dense<0.000000e+00> : vector<8192xf32>
      %reduce_sum3A_327 = vector.multi_reduction <add>, %mul3A_325, %reduce_sum3A_326 [0] : vector<16x8192xf32> to vector<8192xf32>
      %broadcast_in_dim3A_328 = vector.shape_cast %reduce_sum3A_327 : vector<8192xf32> to vector<1x8192xf32>
      %div3A_329 = arith.constant 1.000000e+00 : f32
      %div3A_330 = vector.broadcast %div3A_329 : f32 to vector<1x8192xf32>
      %div3A_331 = arith.divf %div3A_330, %broadcast_in_dim3A_328 : vector<1x8192xf32>
      %get3A_332 = arith.constant 0 : index
      %get3A_333 = arith.constant 0 : index
      %get3A_334 = vector.load %arg5[%get3A_332, %get3A_333] : memref<16x8192xf32, #tpu.memory_space<vmem>>, vector<16x8192xf32>
      %mul3A_335 = vector.broadcast %div3A_331 : vector<1x8192xf32> to vector<16x8192xf32>
      %mul3A_336 = arith.mulf %get3A_334, %mul3A_335 : vector<16x8192xf32>
      %reduce_sum3A_337 = arith.constant dense<0.000000e+00> : vector<16xf32>
      %reduce_sum3A_338 = vector.multi_reduction <add>, %mul3A_336, %reduce_sum3A_337 [1] : vector<16x8192xf32> to vector<16xf32>
      %broadcast_in_dim3A_339 = vector.shape_cast %reduce_sum3A_338 : vector<16xf32> to vector<16x1xf32>
      %div3A_340 = arith.constant 5.120000e+02 : f32
      %div3A_341 = vector.broadcast %div3A_340 : f32 to vector<16x1xf32>
      %div3A_342 = arith.divf %div3A_341, %broadcast_in_dim3A_339 : vector<16x1xf32>
      %mul3A_343 = vector.broadcast %div3A_342 : vector<16x1xf32> to vector<16x8192xf32>
      %mul3A_344 = arith.mulf %get3A_334, %mul3A_343 : vector<16x8192xf32>
      %reduce_sum3A_345 = arith.constant dense<0.000000e+00> : vector<8192xf32>
      %reduce_sum3A_346 = vector.multi_reduction <add>, %mul3A_344, %reduce_sum3A_345 [0] : vector<16x8192xf32> to vector<8192xf32>
      %broadcast_in_dim3A_347 = vector.shape_cast %reduce_sum3A_346 : vector<8192xf32> to vector<1x8192xf32>
      %div3A_348 = arith.constant 1.000000e+00 : f32
      %div3A_349 = vector.broadcast %div3A_348 : f32 to vector<1x8192xf32>
      %div3A_350 = arith.divf %div3A_349, %broadcast_in_dim3A_347 : vector<1x8192xf32>
      %get3A_351 = arith.constant 0 : index
      %get3A_352 = arith.constant 0 : index
      %get3A_353 = vector.load %arg5[%get3A_351, %get3A_352] : memref<16x8192xf32, #tpu.memory_space<vmem>>, vector<16x8192xf32>
      %mul3A_354 = vector.broadcast %div3A_350 : vector<1x8192xf32> to vector<16x8192xf32>
      %mul3A_355 = arith.mulf %get3A_353, %mul3A_354 : vector<16x8192xf32>
      %reduce_sum3A_356 = arith.constant dense<0.000000e+00> : vector<16xf32>
      %reduce_sum3A_357 = vector.multi_reduction <add>, %mul3A_355, %reduce_sum3A_356 [1] : vector<16x8192xf32> to vector<16xf32>
      %broadcast_in_dim3A_358 = vector.shape_cast %reduce_sum3A_357 : vector<16xf32> to vector<16x1xf32>
      %div3A_359 = arith.constant 5.120000e+02 : f32
      %div3A_360 = vector.broadcast %div3A_359 : f32 to vector<16x1xf32>
      %div3A_361 = arith.divf %div3A_360, %broadcast_in_dim3A_358 : vector<16x1xf32>
      %mul3A_362 = vector.broadcast %div3A_361 : vector<16x1xf32> to vector<16x8192xf32>
      %mul3A_363 = arith.mulf %get3A_353, %mul3A_362 : vector<16x8192xf32>
      %reduce_sum3A_364 = arith.constant dense<0.000000e+00> : vector<8192xf32>
      %reduce_sum3A_365 = vector.multi_reduction <add>, %mul3A_363, %reduce_sum3A_364 [0] : vector<16x8192xf32> to vector<8192xf32>
      %broadcast_in_dim3A_366 = vector.shape_cast %reduce_sum3A_365 : vector<8192xf32> to vector<1x8192xf32>
      %div3A_367 = arith.constant 1.000000e+00 : f32
      %div3A_368 = vector.broadcast %div3A_367 : f32 to vector<1x8192xf32>
      %div3A_369 = arith.divf %div3A_368, %broadcast_in_dim3A_366 : vector<1x8192xf32>
      %get3A_370 = arith.constant 0 : index
      %get3A_371 = arith.constant 0 : index
      %get3A_372 = vector.load %arg5[%get3A_370, %get3A_371] : memref<16x8192xf32, #tpu.memory_space<vmem>>, vector<16x8192xf32>
      %mul3A_373 = vector.broadcast %div3A_369 : vector<1x8192xf32> to vector<16x8192xf32>
      %mul3A_374 = arith.mulf %get3A_372, %mul3A_373 : vector<16x8192xf32>
      %reduce_sum3A_375 = arith.constant dense<0.000000e+00> : vector<16xf32>
      %reduce_sum3A_376 = vector.multi_reduction <add>, %mul3A_374, %reduce_sum3A_375 [1] : vector<16x8192xf32> to vector<16xf32>
      %broadcast_in_dim3A_377 = vector.shape_cast %reduce_sum3A_376 : vector<16xf32> to vector<16x1xf32>
      %div3A_378 = arith.constant 5.120000e+02 : f32
      %div3A_379 = vector.broadcast %div3A_378 : f32 to vector<16x1xf32>
      %div3A_380 = arith.divf %div3A_379, %broadcast_in_dim3A_377 : vector<16x1xf32>
      %mul3A_381 = vector.broadcast %div3A_380 : vector<16x1xf32> to vector<16x8192xf32>
      %mul3A_382 = arith.mulf %get3A_372, %mul3A_381 : vector<16x8192xf32>
      %reduce_sum3A_383 = arith.constant dense<0.000000e+00> : vector<8192xf32>
      %reduce_sum3A_384 = vector.multi_reduction <add>, %mul3A_382, %reduce_sum3A_383 [0] : vector<16x8192xf32> to vector<8192xf32>
      %broadcast_in_dim3A_385 = vector.shape_cast %reduce_sum3A_384 : vector<8192xf32> to vector<1x8192xf32>
      %div3A_386 = arith.constant 1.000000e+00 : f32
      %div3A_387 = vector.broadcast %div3A_386 : f32 to vector<1x8192xf32>
      %div3A_388 = arith.divf %div3A_387, %broadcast_in_dim3A_385 : vector<1x8192xf32>
      %get3A_389 = arith.constant 0 : index
      %get3A_390 = arith.constant 0 : index
      %get3A_391 = vector.load %arg5[%get3A_389, %get3A_390] : memref<16x8192xf32, #tpu.memory_space<vmem>>, vector<16x8192xf32>
      %mul3A_392 = vector.broadcast %div3A_388 : vector<1x8192xf32> to vector<16x8192xf32>
      %mul3A_393 = arith.mulf %get3A_391, %mul3A_392 : vector<16x8192xf32>
      %reduce_sum3A_394 = arith.constant dense<0.000000e+00> : vector<16xf32>
      %reduce_sum3A_395 = vector.multi_reduction <add>, %mul3A_393, %reduce_sum3A_394 [1] : vector<16x8192xf32> to vector<16xf32>
      %broadcast_in_dim3A_396 = vector.shape_cast %reduce_sum3A_395 : vector<16xf32> to vector<16x1xf32>
      %div3A_397 = arith.constant 1.000000e+00 : f32
      %div3A_398 = vector.broadcast %div3A_397 : f32 to vector<16x1xf32>
      %div3A_399 = arith.divf %div3A_398, %broadcast_in_dim3A_396 : vector<16x1xf32>
      %mul3A_400 = vector.broadcast %div3A_399 : vector<16x1xf32> to vector<16x8192xf32>
      %mul3A_401 = arith.mulf %get3A_391, %mul3A_400 : vector<16x8192xf32>
      %mul3A_402 = vector.broadcast %div3A_388 : vector<1x8192xf32> to vector<16x8192xf32>
      %mul3A_403 = arith.mulf %mul3A_401, %mul3A_402 : vector<16x8192xf32>
      %swap3A_404 = arith.constant 0 : index
      %swap3A_405 = arith.constant 0 : index
      %swap3A_406 = vector.load %arg3[%swap3A_404, %swap3A_405] : memref<16x8192xf32, #tpu.memory_space<vmem>>, vector<16x8192xf32>
      tpu.vector_store %arg3[%swap3A_404, %swap3A_405], %mul3A_403 {strides = array<i32>} : memref<16x8192xf32, #tpu.memory_space<vmem>>, vector<16x8192xf32>,
      %reduce_sum3A_407 = arith.constant dense<0.000000e+00> : vector<16xf32>
      %reduce_sum3A_408 = vector.multi_reduction <add>, %mul3A_403, %reduce_sum3A_407 [1] : vector<16x8192xf32> to vector<16xf32>
      %broadcast_in_dim3A_409 = vector.shape_cast %reduce_sum3A_408 : vector<16xf32> to vector<16x1xf32>
      %div3A_410 = arith.constant 8.192000e+03 : f32
      %div3A_411 = vector.broadcast %div3A_410 : f32 to vector<16x1xf32>
      %div3A_412 = arith.divf %broadcast_in_dim3A_409, %div3A_411 : vector<16x1xf32>
      %log3A = arith.constant 6.250000e-02 : f32
      %log3A_413 = math.log %log3A : f32
      %log3A_414 = math.log %div3A_412 : vector<16x1xf32>
      %sub3A_415 = vector.broadcast %log3A_413 : f32 to vector<16x1xf32>
      %sub3A_416 = arith.subf %sub3A_415, %log3A_414 : vector<16x1xf32>
      %mul3A_417 = arith.constant 6.250000e-02 : f32
      %mul3A_418 = vector.broadcast %mul3A_417 : f32 to vector<16x1xf32>
      %mul3A_419 = arith.mulf %mul3A_418, %sub3A_416 : vector<16x1xf32>
      %reduce_sum3A_420 = vector.shape_cast %mul3A_419 : vector<16x1xf32> to vector<1x16x1xf32>
      %reduce_sum3A_421 = arith.constant dense<0.000000e+00> : vector<1xf32>
      %reduce_sum3A_422 = vector.multi_reduction <add>, %reduce_sum3A_420, %reduce_sum3A_421 [1, 2] : vector<1x16x1xf32> to vector<1xf32>
      %reduce_sum3A_423 = vector.shape_cast %reduce_sum3A_422 : vector<1xf32> to vector<1x1x1xf32>
      %reduce_sum3A_424 = vector.extract %reduce_sum3A_423[0, 0, 0] : f32 from vector<1x1x1xf32>
      %broadcast_in_dim3A_425 = vector.broadcast %reduce_sum3A_424 : f32 to vector<1x1xf32>
      %swap3A_426 = arith.constant 0 : index
      %swap3A_427 = arith.constant 0 : index
      %swap3A_428 = vector.load %arg4[%swap3A_426, %swap3A_427] : memref<1x1xf32, #tpu.memory_space<vmem>>, vector<1x1xf32>
      tpu.vector_store %arg4[%swap3A_426, %swap3A_427], %broadcast_in_dim3A_425 {strides = array<i32>} : memref<1x1xf32, #tpu.memory_space<vmem>>, vector<1x1xf32>,
    } else {
    }
    return
  }
  func.func @transform_0(%arg0: i32) -> (i32, i32) {
    %c0_i32 = arith.constant 0 : i32
    %c0_i32_0 = arith.constant 0 : i32
    return %arg0, %c0_i32 : i32, i32
  }
  func.func @transform_1(%arg0: i32) -> (i32, i32) {
    %c0_i32 = arith.constant 0 : i32
    %c0_i32_0 = arith.constant 0 : i32
    %c0_i32_1 = arith.constant 0 : i32
    return %c0_i32, %c0_i32_0 : i32, i32
  }
  func.func @transform_2(%arg0: i32) -> (i32, i32) {
    %c0_i32 = arith.constant 0 : i32
    %c0_i32_0 = arith.constant 0 : i32
    %c0_i32_1 = arith.constant 0 : i32
    return %c0_i32, %c0_i32_0 : i32, i32
  }
  func.func @transform_3(%arg0: i32) -> (i32, i32) {
    %c0_i32 = arith.constant 0 : i32
    %c0_i32_0 = arith.constant 0 : i32
    %c0_i32_1 = arith.constant 0 : i32
    return %c0_i32, %c0_i32_0 : i32, i32
  }
}

</mosaic_0001>

<sc_bundles>
// kernel: kernel.4.cloned.1.call-start
scs
__scs_entry_jumppad:
0x0: {  	(pc) =	sbr.rel $0x88, $3  }
0x1: {  	(tag) =	ssettag $0x0;
	lr =	simm.s32 $0x1  }
0x2: {  	[smem:$0x3F9F] =	sst lr;
	_ =	strace $0xD0000000  }
0x3: {  	_ = 	snop  }
0x4: {  	_ = 	snop  }
0x5: {  	_ = 	snop  }
0x6: {  	_ = 	snop  }
0x7: {  	_ = 	snop  }
__scs_overlays_trampoline_lowered:
0x8: {  	[smem:$0x3FAE] =	sst s0  }
0x9: {  	[smem:$0x3FAF] =	sst s1  }
0xa: {  	[smem:$0x3FB0] =	sst s2  }
0xb: {  	[smem:$0x3FB1] =	sst s3  }
0xc: {  	[smem:$0x3FB2] =	sst s4  }
0xd: {  	[smem:$0x3FB3] =	sst s5  }
0xe: {  	[smem:$0x3FB4] =	sst s6  }
0xf: {  	[smem:$0x3FB5] =	sst s7  }
0x10: {  	[smem:$0x3FB6] =	sst s8  }
0x11: {  	[smem:$0x3FB7] =	sst s9;
	s0 =	simm.s32 @!p0 $0x0  }
0x12: {  	s1 =	sld [smem:$0x3F9D];
	s0 =	simm.s32 @p0 $0x1  }
0x13: {  	[smem:$0x3FB8] =	sst s0;
	s0 =	simm.s32 @!p1 $0x0  }
0x14: {  	s2 =	sld [smem:$0x3F9C];
	s0 =	simm.s32 @p1 $0x1  }
0x15: {  	[smem:$0x3FB9] =	sst s0;
	s0 =	simm.s32 @!p2 $0x0  }
0x16: {  	s3 =	sld [smem:$0x3FDB];
	s0 =	simm.s32 @p2 $0x1  }
0x17: {  	s4 =	simm.s32 $0x1BF5;
	[smem:$0x3FBB] =	sst s0  }
0x18: {  	s0 =	sld [smem:$0x3F9E];
	_ =	swait.ge [sflag:s4], $0x0  }
0x19: {  	s7 =	sld [smem:$0x3F9F]  }
0x1a: {  	s8 =	sadd.s32 $0xFFFFE003, lr  }
0x1b: {  	s9 =	sadd.s32 $0xFFFFFEF7, lr;
	s5 =	simm.s32 $0xFFFFFFFF;
	p2 =	slt.u32 s8, $0xFFFFF086  }
0x1c: {  	p1 =	slt.u32 s9, $0xF7A;
	s5 =	simm.s32 @!p2 $0x0  }
0x1d: {  	s5 =	simm.s32 @p1 $0x1;
	p0 =	seq.s32 s7, s2  }
0x1e: {  	s7 =	smul.u32 @!p0 $0xF7A, s2;
	p2 =	seq.s32 @!p0 s5, $0x0  }
0x1f: {  	s9 =	smul.u32 $0xF7A, s1;
	s8 =	simm.s32 @!p0 $0x1BF5;
	p2 =	por !p2, p0  }
0x20: {  	[sflag:s8] =	ssyncset.s32 @!p0 $0xFFFFF086;
	s6 =	sadd.s32 @!p0 s3, s7;
	s7 =	simm.s32 @!p0 $0x108  }
0x21: {  	s3 =	sadd.s32 s3, s9;
	s6 =	sadd.s32 @!p0 $0x88, s6;
	s7 =	simm.s32 @p2 $0x1082  }
0x22: {  	[simem:s7], [sflag:s8] =	dma.local @!p0 [hbm:s6], $0xF7A  }
0x23: {  	s9 =	sor.u32 $0xD0000000, s2;
	s6 =	simm.s32 $0x108;
	_ =	swait.ge @!p0 [sflag:s8], $0x0  }
0x24: {  	s3 =	sadd.s32 $0x88, s3;
	s6 =	simm.s32 @!p1 $0x1082;
	[sflag:s4] =	ssyncset.s32 $0xFFFFF086  }
0x25: {  	[simem:s6], [sflag:s4] =	dma.local [hbm:s3], $0xF7A  }
0x26: {  	[smem:$0x3F9F] =	sst s1;
	(tag) =	ssettag s2;
	_ =	strace s9  }
0x27: {  	s1 =	sld [smem:$0x3FAF]  }
0x28: {  	s2 =	sld [smem:$0x3FB0]  }
0x29: {  	s4 =	sld [smem:$0x3FB2]  }
0x2a: {  	p0 =	seq.s32 s5, $0x0;
	s5 =	sld [smem:$0x3FB3]  }
0x2b: {  	s6 =	sld [smem:$0x3FB4]  }
0x2c: {  	s7 =	sld [smem:$0x3FB5]  }
0x2d: {  	s3 =	simm.s32 $0x108;
	s8 =	sld [smem:$0x3FB6]  }
0x2e: {  	s3 =	simm.s32 @!p0 $0x1082;
	s9 =	sld [smem:$0x3FB7]  }
0x2f: {  	lr =	sadd.s32 s0, s3;
	s0 =	sld [smem:$0x3FAE]  }
0x30: {  	s3 =	sld [smem:$0x3FB1]  }
0x31: {  	[smem:$0x3FBA] =	sst s10  }
0x32: {  	s10 =	sld [smem:$0x3FB8];
	_ =	sdelay $0x3  }
0x33: {  	p0 =	seq.s32 s10, $0x1;
	s10 =	sld [smem:$0x3FBA];
	_ =	sdelay $0x3  }
0x34: {  	[smem:$0x3FBA] =	sst s10  }
0x35: {  	s10 =	sld [smem:$0x3FB9];
	_ =	sdelay $0x3  }
0x36: {  	p1 =	seq.s32 s10, $0x1;
	s10 =	sld [smem:$0x3FBA];
	_ =	sdelay $0x3  }
0x37: {  	[smem:$0x3FBA] =	sst s10  }
0x38: {  	s10 =	sld [smem:$0x3FBB]  }
0x39: {  	_ = 	snop;
	(pc) =	sbr.ind lr, $3  }
0x3a: {  	_ = 	snop  }
0x3b: {  	_ = 	snop  }
0x3c: {  	p2 =	seq.s32 s10, $0x1;
	s10 =	sld [smem:$0x3FBA]  }
0x3d: {  	_ =	shalt  }
0x3e: {  	_ =	shalt  }
0x3f: {  	_ =	shalt  }
0x40: {  	_ =	shalt  }
0x41: {  	_ =	shalt  }
0x42: {  	_ =	shalt  }
0x43: {  	_ =	shalt  }
0x44: {  	_ =	shalt  }
0x45: {  	_ =	shalt  }
0x46: {  	_ =	shalt  }
0x47: {  	_ =	shalt  }
0x48: {  	_ =	shalt  }
0x49: {  	_ =	shalt  }
0x4a: {  	_ =	shalt  }
0x4b: {  	_ =	shalt  }
0x4c: {  	_ =	shalt  }
0x4d: {  	_ =	shalt  }
0x4e: {  	_ =	shalt  }
0x4f: {  	_ =	shalt  }
0x50: {  	_ =	shalt  }
0x51: {  	_ =	shalt  }
0x52: {  	_ =	shalt  }
0x53: {  	_ =	shalt  }
0x54: {  	_ =	shalt  }
0x55: {  	_ =	shalt  }
0x56: {  	_ =	shalt  }
0x57: {  	_ =	shalt  }
0x58: {  	_ =	shalt  }
0x59: {  	_ =	shalt  }
0x5a: {  	_ =	shalt  }
0x5b: {  	_ =	shalt  }
0x5c: {  	_ =	shalt  }
0x5d: {  	_ =	shalt  }
0x5e: {  	_ =	shalt  }
0x5f: {  	_ =	shalt  }
0x60: {  	_ =	shalt  }
0x61: {  	_ =	shalt  }
0x62: {  	_ =	shalt  }
0x63: {  	_ =	shalt  }
0x64: {  	_ =	shalt  }
0x65: {  	_ =	shalt  }
0x66: {  	_ =	shalt  }
0x67: {  	_ =	shalt  }
0x68: {  	_ =	shalt  }
0x69: {  	_ =	shalt  }
0x6a: {  	_ =	shalt  }
0x6b: {  	_ =	shalt  }
0x6c: {  	_ =	shalt  }
0x6d: {  	_ =	shalt  }
0x6e: {  	_ =	shalt  }
0x6f: {  	_ =	shalt  }
0x70: {  	_ =	shalt  }
0x71: {  	_ =	shalt  }
0x72: {  	_ =	shalt  }
0x73: {  	_ =	shalt  }
0x74: {  	_ =	shalt  }
0x75: {  	_ =	shalt  }
0x76: {  	_ =	shalt  }
0x77: {  	_ =	shalt  }
0x78: {  	_ =	shalt  }
0x79: {  	_ =	shalt  }
0x7a: {  	_ =	shalt  }
0x7b: {  	_ =	shalt  }
0x7c: {  	_ =	shalt  }
0x7d: {  	_ =	shalt  }
0x7e: {  	_ =	shalt  }
0x7f: {  	_ =	shalt  }
0x80: {  	_ =	shalt  }
0x81: {  	_ =	shalt  }
0x82: {  	_ =	shalt  }
0x83: {  	_ =	shalt  }
0x84: {  	_ =	shalt  }
0x85: {  	_ =	shalt  }
0x86: {  	_ =	shalt  }
0x87: {  	_ =	shalt  }
.Lfunc_end0:
.L_simem_size_0:
called_computation_lowered:
.L_overlay_start_0:
0x88: {  	s2 =	sld [smem:$0x3FD9]  }
0x89: {  	s3 =	sld [smem:$0x3FFE];
	_ =	sdelay $0x1  }
0x8a: {  	s1 =	srdreg.scid  }
0x8b: {  	s0 =	sand.u32 $0x1, s1  }
0x8c: {  	s14 =	sshll.u32 s0, $0xA;
	s2 =	sadd.s32 s3, s2  }
0x8d: {  	s2 =	sadd.s32 s2, s14  }
0x8e: {  	[smem:$0x3FC6] =	sst s2  }
0x8f: {  	_ = 	snop  }
0x90: {  	s2 =	sld [smem:$0x3FD0];
	_ =	sdelay $0x2  }
0x91: {  	s15 =	simm.s32 $0xA;
	s4 =	simm.s32 $0x10  }
0x92: {  	[smem:s4], [sflag:s15] =	dma.local [hbm:s2], $0x1  }
0x93: {  	_ =	swait.eq [sflag:s15], $0x1  }
0x94: {  	[sflag:s15] =	ssyncset.done $0x0  }
0x95: {  	[sflag:s15] =	ssyncadd.s32 $0xFFFFFFFF  }
0x96: {  	s16 =	sld [smem:$0x11];
	(tm) =	ssettm $0x1  }
0x97: {  	s17 =	sld [smem:$0x3FFB];
	_ =	sdelay $0x3  }
0x98: {  	_ =	strace s17  }
0x99: {  	s3 =	sld [smem:$0x3FFC];
	_ =	sdelay $0x3  }
0x9a: {  	_ =	strace s3  }
0x9b: {  	s3 =	sld [smem:$0x3FFD];
	_ =	sdelay $0x3  }
0x9c: {  	_ =	strace s3  }
0x9d: {  	_ =	strace $0x8FFFFFFF  }
0x9e: {  	s18 =	sld [smem:$0x3FDB];
	_ =	sdelay $0x1  }
0x9f: {  	s19 =	simm.s32 $_scs_section_size  }
0xa0: {  	s5 =	simm.s32 $_size__tile_overlayer_lowered;
	s6 =	simm.s32 $_tile_overlayer_lowered  }
0xa1: {  	s22 =	simm.s32 $0x1BFF;
	s21 =	sshll.u32 s6, $0x1;
	s3 =	sadd.s32 s19, s18  }
0xa2: {  	s7 =	simm.s32 $0x0;
	s20 =	sshll.u32 s5, $0x1;
	s5 =	sadd.s32 s21, s3  }
0xa3: {  	[timem:s7], [sflag:s22] =	dma.local [hbm:s5], s20  }
0xa4: {  	_ =	swait.ge [sflag:s22], s20  }
0xa5: {  	s4 =	ssub.s32 $0x0, s20;
	[sflag:s22] =	ssyncset.done $0x0  }
0xa6: {  	[sflag:s22] =	ssyncadd.s32 s4;
	_ =	sdelay $0x1  }
0xa7: {  	s23 =	simm.s32 $0x1B8B  }
0xa8: {  	_ =	swait.ge [sflag:s23], $0x1  }
0xa9: {  	[sflag:s23] =	ssyncset.done $0x0  }
0xaa: {  	s25 =	simm.s32 $0x1B8E;
	s24 =	sld [smem:$0x3FFE];
	[sflag:s23] =	ssyncadd.s32 $0xFFFFFFFF  }
0xab: {  	s26 =	simm.s32 $execute0_lowered;
	[smem:$0x3FD2] =	sst s25  }
0xac: {  	s5 =	sshll.u32 s26, $0x1;
	_ =	strace $0x80000046;
	[dreg:$0x1] =	wrdreg $0xFFFFFFFF  }
0xad: {  	s28 =	simm.s32 $_size_execute0_lowered;
	s3 =	sadd.s32 s3, s5;
	[dreg:$0x0] =	wrdreg $0x0  }
0xae: {  	s5 =	sshll.u32 s28, $0x1;
	[dreg:$0x2] =	wrdreg s3  }
0xaf: {  	[dreg:$0x3] =	wrdreg s5  }
0xb0: {  	[dreg:$0x4] =	wrdreg $0xC0  }
0xb1: {  	_ =	task [dreg:s7], $0x5FFFF  }
0xb2: {  	[dreg:$0x1] =	wrdreg $0xFFFFFFFF  }
0xb3: {  	[dreg:$0x0] =	wrdreg $0x60  }
0xb4: {  	[dreg:$0x2] =	wrdreg s24  }
0xb5: {  	[dreg:$0x3] =	wrdreg s16  }
0xb6: {  	[dreg:$0x4] =	wrdreg $0x9  }
0xb7: {  	_ =	task.clear_ibuf [dreg:s7], $0x5FFFF;
	_ =	strace $0x90000046  }
0xb8: {  	s29 =	simm.s32 $0x9;
	_ =	strace $0x80000048  }
0xb9: {  	_ =	swait.ge [sflag:s29], $0x1  }
0xba: {  	[sflag:s29] =	ssyncadd.s32 $0xFFFFFFFF  }
0xbb: {  	_ =	strace $0x90000048  }
0xbc: {  	_ =	sfence  }
0xbd: {  	s30 =	sld [smem:$0x0];
	_ =	sdelay $0x2  }
0xbe: {  	s31 =	sshll.u32 s1, $0xD;
	s1 =	sshrl.u32 s1, $0x2  }
0xbf: {  	s3 =	sand.u32 $0x4000, s31;
	s1 =	sadd.s32 s1, s30  }
0xc0: {  	s0 =	sor.u32 s3, s0;
	s1 =	sshll.u32 s1, $0x11  }
0xc1: {  	s0 =	sor.u32 s1, s0  }
0xc2: {  	s0 =	sadd.s32 $0x8F2B, s0  }
0xc3: {  	[sflag:s0] =	ssyncadd.remote.s32 $0x1  }
0xc4: {  	_ =	sfence.sel $0xFFFF  }
0xc5: {  	[dreg:$0x0] =	wrdreg $0xFFFFFFFF;
	(pc) =	sbr.abs _section_cstart, $3  }
0xc6: {  	[dreg:$0x1] =	wrdreg $0xFFFFFFFF  }
0xc7: {  	_ =	task.clear_ibuf [dreg:s7], $0x2FFFF;
	_ =	strace $0x9FFFFFFF  }
0xc8: {  	(tm) =	ssettm $0x7FFFFFFF  }
0xc9: {  	_ =	shalt  }
tec
execute0_lowered:
.L_overlay_start_1:
0x0: {  	(tag) =	ssettag $0x1  }
0x1: {  	s3 =	rddreg [dreg:$0x0]  }
0x2: {  	s4 =	rddreg [dreg:$0x1]  }
0x3: {  	s0 =	rddreg [dreg:$0x2];
	s5 =	srdreg.scid  }
0x4: {  	s2 =	simm.s32 $0x0;
	s1 =	stileid.u32;
	s8 =	simm.s32 $0x1  }
0x5: {  	s9 =	simm.s32 $0x1000;
	s10 =	simm.s32 $0x0;
	s5 =	sand.u32 $0x1, s5  }
0x6: {  	[smem:$0x7FF] =	sst s2;
	s6 =	sshll.u32 s1, $0x9;
	s7 =	sshll.u32 s5, $0x8  }
0x7: {  	_ =	strace $0x80000047;
	s5 =	ssub.s32 $0x2, s5;
	s6 =	sor.u32 s7, s6  }
0x8: {  	s31 =	sshrl.u32 s5, $0x1;
	s7 =	simm.s32 $0x10000;
	s3 =	sadd.s32 s6, s3  }
0x9: {  	s6 =	sshrl.u32 s6, $0x2;
	s5 =	ssub.s32 s5, s31;
	s3 =	sadd.s32 $0xA00, s3  }
0xa: {  	v0 =	vimm.s32 $0x10;
	s4 =	sadd.s32 s4, s6;
	s5 =	smax.u32 s5, $0x1;
	s6 =	simm.s32 $0x800  }
.LBB2_1:
0xb: {  	[tilespmem:s2], [sflag:$0x1] =	stream.strided.gather [hbm4b:s3+s6], $0x1000, s7, s6, $0x38;
	[tilespmem:$0x1200] =	vst v63  }
0xc: {  	s11 =	simm.s32 $0x0;
	_ =	swait.ge [sflag:s8], $0x1000  }
0xd: {  	s12 =	sand.u32 $0x70, s2;
	s11 =	sand.u32 $0x3FFFFC00, s11;
	[sflag:s8] =	ssyncset.done $0x0  }
0xe: {  	s11 =	sor.u32 s12, s11;
	[sflag:s8] =	ssyncadd.s32 $0xFFFFF000  }
0xf: {  	v1 =	vld [tilespmem:s11+$0x0]  }
0x10: {  	v2 =	vld [tilespmem:s11+$0x80]  }
0x11: {  	v3 =	vld [tilespmem:s11+$0x100]  }
0x12: {  	v4 =	vld [tilespmem:s11+$0x180]  }
0x13: {  	v5 =	vld [tilespmem:s11+$0x200]  }
0x14: {  	v6 =	vld [tilespmem:s11+$0x280]  }
0x15: {  	v7 =	vld [tilespmem:s11+$0x300];
	v9 =	vmax.f32 v1, v2  }
0x16: {  	v8 =	vld [tilespmem:s11+$0x380];
	v10 =	vmax.f32 v9, v3  }
0x17: {  	v11 =	vld [tilespmem:s11+$0x800];
	v10 =	vmax.f32 v10, v4  }
0x18: {  	v12 =	vld [tilespmem:s11+$0x880];
	v10 =	vmax.f32 v10, v5  }
0x19: {  	v13 =	vld [tilespmem:s11+$0x900];
	v10 =	vmax.f32 v10, v6  }
0x1a: {  	v14 =	vld [tilespmem:s11+$0x980];
	v10 =	vmax.f32 v10, v7  }
0x1b: {  	v15 =	vld [tilespmem:s11+$0xA00];
	v10 =	vmax.f32 v10, v8  }
0x1c: {  	v16 =	vld [tilespmem:s11+$0xA80];
	v10 =	vmax.f32 v10, v11  }
0x1d: {  	v17 =	vld [tilespmem:s11+$0xB00];
	v10 =	vmax.f32 v10, v12  }
0x1e: {  	v18 =	vld [tilespmem:s11+$0xB80];
	v10 =	vmax.f32 v10, v13  }
0x1f: {  	v10 =	vmax.f32 v10, v14  }
0x20: {  	v10 =	vmax.f32 v10, v15  }
0x21: {  	v10 =	vmax.f32 v10, v16  }
0x22: {  	v10 =	vmax.f32 v10, v17  }
0x23: {  	v10 =	vmax.f32 v10, v18  }
0x24: {  	vm0 =	veq.f32 v18, v10  }
0x25: {  	vm4 =	veq.f32 v17, v10;
	v19 =	vsel vm0, $0xF, v0  }
0x26: {  	vm1 =	veq.f32 v16, v10;
	v19 =	vsel vm4, $0xE, v19  }
0x27: {  	vm5 =	veq.f32 v15, v10;
	v19 =	vsel vm1, $0xD, v19  }
0x28: {  	vm6 =	veq.f32 v14, v10;
	v19 =	vsel vm5, $0xC, v19  }
0x29: {  	vm7 =	veq.f32 v13, v10;
	v19 =	vsel vm6, $0xB, v19  }
0x2a: {  	vm8 =	veq.f32 v12, v10;
	v19 =	vsel vm7, $0xA, v19  }
0x2b: {  	vm9 =	veq.f32 v11, v10;
	v19 =	vsel vm8, $0x9, v19  }
0x2c: {  	vm10 =	veq.f32 v8, v10;
	v19 =	vsel vm9, $0x8, v19  }
0x2d: {  	vm11 =	veq.f32 v7, v10;
	v19 =	vsel vm10, $0x7, v19  }
0x2e: {  	vm12 =	veq.f32 v6, v10;
	v19 =	vsel vm11, $0x6, v19  }
0x2f: {  	vm13 =	veq.f32 v5, v10;
	v19 =	vsel vm12, $0x5, v19  }
0x30: {  	vm14 =	veq.f32 v4, v10;
	v19 =	vsel vm13, $0x4, v19  }
0x31: {  	vm15 =	veq.f32 v3, v10;
	v19 =	vsel vm14, $0x3, v19  }
0x32: {  	vm4 =	veq.f32 v2, v10;
	v19 =	vsel vm15, $0x2, v19  }
0x33: {  	vm5 =	veq.f32 v1, v10;
	v50 =	vsel vm4, $0x1, v19  }
0x34: {  	v10 =	vsel vm5, $0x0, v50  }
0x35: {  	vm0 =	veq.s32 v10, $0x1  }
0x36: {  	vm6 =	veq.s32 v10, $0x0;
	v51 =	vsel vm0, v1, v9  }
0x37: {  	v19 =	vsel vm6, v2, v51  }
0x38: {  	vm7 =	veq.s32 v10, $0x2;
	v19 =	vmax.f32 v19, v3  }
0x39: {  	v9 =	vsel vm7, v9, v19  }
0x3a: {  	vm8 =	veq.s32 v10, $0x3;
	v9 =	vmax.f32 v9, v4  }
0x3b: {  	v19 =	vsel vm8, v19, v9  }
0x3c: {  	vm9 =	veq.s32 v10, $0x4;
	v19 =	vmax.f32 v19, v5  }
0x3d: {  	v9 =	vsel vm9, v9, v19  }
0x3e: {  	vm10 =	veq.s32 v10, $0x5;
	v9 =	vmax.f32 v9, v6  }
0x3f: {  	v19 =	vsel vm10, v19, v9  }
0x40: {  	vm11 =	veq.s32 v10, $0x6;
	v19 =	vmax.f32 v19, v7  }
0x41: {  	v9 =	vsel vm11, v9, v19  }
0x42: {  	vm12 =	veq.s32 v10, $0x7;
	v9 =	vmax.f32 v9, v8  }
0x43: {  	v19 =	vsel vm12, v19, v9  }
0x44: {  	vm13 =	veq.s32 v10, $0x8;
	v19 =	vmax.f32 v19, v11  }
0x45: {  	v9 =	vsel vm13, v9, v19  }
0x46: {  	vm14 =	veq.s32 v10, $0x9;
	v9 =	vmax.f32 v9, v12  }
0x47: {  	v19 =	vsel vm14, v19, v9  }
0x48: {  	vm15 =	veq.s32 v10, $0xA;
	v19 =	vmax.f32 v19, v13  }
0x49: {  	v9 =	vsel vm15, v9, v19  }
0x4a: {  	vm4 =	veq.s32 v10, $0xB;
	v9 =	vmax.f32 v9, v14  }
0x4b: {  	v19 =	vsel vm4, v19, v9  }
0x4c: {  	vm5 =	veq.s32 v10, $0xC;
	v19 =	vmax.f32 v19, v15  }
0x4d: {  	v9 =	vsel vm5, v9, v19  }
0x4e: {  	vm6 =	veq.s32 v10, $0xD;
	v9 =	vmax.f32 v9, v16  }
0x4f: {  	vm2 =	vne.s32 v10, $0xE;
	v19 =	vsel vm6, v19, v9  }
0x50: {  	vm7 =	veq.s32 v10, $0xE;
	vm8 =	veq.s32 v10, $0xF;
	v19 =	vmax.f32 v19, v17  }
0x51: {  	vm9 =	vne.s32 v10, $0xF;
	vm12 =	vne.s32 v10, $0xD;
	v9 =	vsel vm7, v9, v19  }
0x52: {  	vm14 =	vne.s32 v10, $0xC;
	vm4 =	vne.s32 v10, $0xB;
	v9 =	vmax.f32 v9, v18  }
0x53: {  	vm6 =	vne.s32 v10, $0xA;
	v9 =	vsel vm8, v19, v9;
	vm8 =	vne.s32 v10, $0x9  }
0x54: {  	vm0 =	veq.f32 v18, v9;
	vm10 =	veq.f32 v17, v9;
	vm13 =	veq.f32 v16, v9  }
0x55: {  	vm15 =	veq.f32 v15, v9;
	vm5 =	veq.f32 v14, v9;
	vm7 =	veq.f32 v13, v9  }
0x56: {  	vm0 =	vmand vm9, vm0;
	vm11 =	vmand vm2, vm10;
	vm1 =	vmand vm12, vm13  }
0x57: {  	vm9 =	veq.f32 v12, v9;
	vm10 =	vne.s32 v10, $0x8;
	vm12 =	vne.s32 v10, $0x7  }
0x58: {  	vm13 =	veq.f32 v8, v9;
	v52 =	vsel vm0, $0xF, v0;
	vm0 =	vmand vm14, vm15  }
0x59: {  	vm14 =	vne.s32 v10, $0x6;
	vm15 =	veq.f32 v7, v9;
	v53 =	vsel vm11, $0xE, v52  }
0x5a: {  	vm11 =	veq.f32 v11, v9;
	v54 =	vsel vm1, $0xD, v53;
	vm1 =	vmand vm4, vm5  }
0x5b: {  	vm4 =	vne.s32 v10, $0x5;
	vm5 =	veq.f32 v6, v9;
	v55 =	vsel vm0, $0xC, v54  }
0x5c: {  	vm0 =	vmand vm6, vm7;
	vm6 =	vne.s32 v10, $0x4;
	v56 =	vsel vm1, $0xB, v55  }
0x5d: {  	vm7 =	veq.f32 v5, v9;
	vm1 =	vmand vm8, vm9;
	v57 =	vsel vm0, $0xA, v56  }
0x5e: {  	vm8 =	vne.s32 v10, $0x3;
	vm0 =	vmand vm10, vm11;
	v58 =	vsel vm1, $0x9, v57  }
0x5f: {  	vm9 =	veq.f32 v4, v9;
	vm1 =	vmand vm12, vm13;
	v59 =	vsel vm0, $0x8, v58  }
0x60: {  	vm10 =	vne.s32 v10, $0x2;
	vm0 =	vmand vm14, vm15;
	v60 =	vsel vm1, $0x7, v59  }
0x61: {  	vm11 =	veq.f32 v3, v9;
	vm1 =	vmand vm4, vm5;
	v61 =	vsel vm0, $0x6, v60  }
0x62: {  	vm12 =	vne.s32 v10, $0x1;
	vm0 =	vmand vm6, vm7;
	v62 =	vsel vm1, $0x5, v61  }
0x63: {  	vm13 =	veq.f32 v2, v9;
	vm1 =	vmand vm8, vm9;
	v63 =	vsel vm0, $0x4, v62  }
0x64: {  	s13 =	simm.s32 $0x0;
	vm14 =	vne.s32 v10, $0x0;
	vm0 =	vmand vm10, vm11;
	v3 =	vsel vm1, $0x3, v63  }
0x65: {  	s14 =	simm.s32 $0x80;
	s13 =	sand.u32 $0x3FFFFF00, s13;
	vm15 =	veq.f32 v1, v9;
	vm1 =	vmand vm12, vm13;
	v2 =	vsel vm0, $0x2, v3  }
0x66: {  	s16 =	sand.u32 $0x3FFFFC00, s14;
	s15 =	sor.u32 s12, s13;
	s13 =	simm.s32 $0x10;
	vm0 =	vmand vm14, vm15;
	v1 =	vsel vm1, $0x1, v2  }
0x67: {  	s14 =	simm.s32 $0x2;
	s12 =	sand.u32 $0x70, s13;
	s11 =	simm.s32 $0x1;
	[tilespmem:s15+$0x1000] =	vst v10;
	v1 =	vsel vm0, $0x0, v1  }
.LBB2_2:
0x68: {  	s16 =	sor.u32 s12, s16;
	[tilespmem:s15+$0x1080] =	vst v1  }
0x69: {  	v1 =	vld [tilespmem:s16+$0x0]  }
0x6a: {  	v2 =	vld [tilespmem:s16+$0x80]  }
0x6b: {  	v3 =	vld [tilespmem:s16+$0x100]  }
0x6c: {  	v4 =	vld [tilespmem:s16+$0x180]  }
0x6d: {  	v5 =	vld [tilespmem:s16+$0x200]  }
0x6e: {  	v6 =	vld [tilespmem:s16+$0x280]  }
0x6f: {  	v7 =	vld [tilespmem:s16+$0x300];
	v17 =	vmax.f32 v1, v2  }
0x70: {  	v8 =	vld [tilespmem:s16+$0x380];
	v10 =	vmax.f32 v17, v3  }
0x71: {  	v9 =	vld [tilespmem:s16+$0x800];
	v11 =	vmax.f32 v10, v4  }
0x72: {  	v43 =	vld [tilespmem:s16+$0x880];
	v12 =	vmax.f32 v11, v5  }
0x73: {  	v44 =	vld [tilespmem:s16+$0x900];
	v13 =	vmax.f32 v12, v6  }
0x74: {  	v45 =	vld [tilespmem:s16+$0x980];
	v14 =	vmax.f32 v13, v7  }
0x75: {  	v46 =	vld [tilespmem:s16+$0xA00];
	v15 =	vmax.f32 v14, v8  }
0x76: {  	v47 =	vld [tilespmem:s16+$0xA80];
	v16 =	vmax.f32 v15, v9  }
0x77: {  	v48 =	vld [tilespmem:s16+$0xB00];
	v18 =	vmax.f32 v16, v43  }
0x78: {  	v49 =	vld [tilespmem:s16+$0xB80];
	v18 =	vmax.f32 v18, v44  }
0x79: {  	v18 =	vmax.f32 v18, v45  }
0x7a: {  	v18 =	vmax.f32 v18, v46  }
0x7b: {  	v18 =	vmax.f32 v18, v47  }
0x7c: {  	v18 =	vmax.f32 v18, v48  }
0x7d: {  	v18 =	vmax.f32 v18, v49  }
0x7e: {  	vm2 =	veq.f32 v49, v18  }
0x7f: {  	vm10 =	veq.f32 v48, v18;
	v19 =	vsel vm2, $0xF, v0  }
0x80: {  	vm3 =	veq.f32 v47, v18;
	v19 =	vsel vm10, $0xE, v19  }
0x81: {  	vm11 =	veq.f32 v46, v18;
	v19 =	vsel vm3, $0xD, v19  }
0x82: {  	vm1 =	veq.f32 v2, v18;
	vm4 =	veq.f32 v45, v18;
	v19 =	vsel vm11, $0xC, v19  }
0x83: {  	vm0 =	veq.f32 v1, v18;
	vm12 =	veq.f32 v44, v18;
	v19 =	vsel vm4, $0xB, v19  }
0x84: {  	vm5 =	veq.f32 v43, v18;
	vm13 =	veq.f32 v9, v18;
	v19 =	vsel vm12, $0xA, v19  }
0x85: {  	vm6 =	veq.f32 v8, v18;
	vm14 =	veq.f32 v7, v18;
	v19 =	vsel vm5, $0x9, v19  }
0x86: {  	vm7 =	veq.f32 v6, v18;
	vm15 =	veq.f32 v5, v18;
	v50 =	vsel vm13, $0x8, v19  }
0x87: {  	vm8 =	veq.f32 v4, v18;
	vm10 =	veq.f32 v3, v18;
	v18 =	vsel vm6, $0x7, v50  }
0x88: {  	v18 =	vsel vm14, $0x6, v18  }
0x89: {  	v18 =	vsel vm7, $0x5, v18  }
0x8a: {  	v18 =	vsel vm15, $0x4, v18  }
0x8b: {  	v18 =	vsel vm8, $0x3, v18  }
0x8c: {  	v18 =	vsel vm10, $0x2, v18  }
0x8d: {  	v18 =	vsel vm1, $0x1, v18  }
0x8e: {  	v18 =	vsel vm0, $0x0, v18  }
0x8f: {  	vm0 =	veq.s32 v18, $0x1  }
0x90: {  	vm11 =	veq.s32 v18, $0x0;
	v51 =	vsel vm0, v1, v17  }
0x91: {  	v19 =	vsel vm11, v2, v51  }
0x92: {  	vm12 =	veq.s32 v18, $0x2;
	v19 =	vmax.f32 v19, v3  }
0x93: {  	v17 =	vsel vm12, v17, v19  }
0x94: {  	vm13 =	veq.s32 v18, $0x3;
	v17 =	vmax.f32 v17, v4  }
0x95: {  	v19 =	vsel vm13, v19, v17  }
0x96: {  	vm14 =	veq.s32 v18, $0x4;
	v19 =	vmax.f32 v19, v5  }
0x97: {  	v17 =	vsel vm14, v17, v19  }
0x98: {  	vm15 =	veq.s32 v18, $0x5;
	v17 =	vmax.f32 v17, v6  }
0x99: {  	v19 =	vsel vm15, v19, v17  }
0x9a: {  	vm4 =	veq.s32 v18, $0x6;
	v19 =	vmax.f32 v19, v7  }
0x9b: {  	v17 =	vsel vm4, v17, v19  }
0x9c: {  	vm5 =	veq.s32 v18, $0x7;
	v17 =	vmax.f32 v17, v8  }
0x9d: {  	v19 =	vsel vm5, v19, v17  }
0x9e: {  	vm6 =	veq.s32 v18, $0x8;
	v19 =	vmax.f32 v19, v9  }
0x9f: {  	v17 =	vsel vm6, v17, v19  }
0xa0: {  	vm7 =	veq.s32 v18, $0x9;
	v17 =	vmax.f32 v17, v43  }
0xa1: {  	v19 =	vsel vm7, v19, v17  }
0xa2: {  	vm8 =	veq.s32 v18, $0xA;
	v19 =	vmax.f32 v19, v44  }
0xa3: {  	v17 =	vsel vm8, v17, v19  }
0xa4: {  	v20 =	vimm.s32 $0x0;
	vm9 =	veq.s32 v18, $0xB;
	v17 =	vmax.f32 v17, v45  }
0xa5: {  	vm10 =	vne.s32 v18, $0x0;
	vm1 =	vne.s32 v18, $0x1;
	v19 =	vsel vm9, v19, v17  }
0xa6: {  	vm3 =	vne.s32 v18, $0x3;
	vm11 =	veq.s32 v18, $0xC;
	v19 =	vmax.f32 v19, v46  }
0xa7: {  	vm2 =	vne.s32 v18, $0x2;
	v20 =	vsel vm10, $0xFFFFFFFF, v20;
	v17 =	vsel vm11, v17, v19  }
0xa8: {  	vm10 =	veq.s32 v18, $0xF;
	vm12 =	veq.s32 v18, $0xD;
	v17 =	vmax.f32 v17, v47  }
0xa9: {  	vm0 =	vne.s32 v18, $0xE;
	vm13 =	veq.s32 v18, $0xE;
	v19 =	vsel vm12, v19, v17  }
0xaa: {  	vm14 =	vne.s32 v18, $0xF;
	vm15 =	vne.s32 v18, $0xD;
	v19 =	vmax.f32 v19, v48  }
0xab: {  	vm4 =	vne.s32 v18, $0x4;
	vm5 =	vne.s32 v18, $0x5;
	v17 =	vsel vm13, v17, v19  }
0xac: {  	vm6 =	vne.s32 v18, $0x6;
	vm7 =	vne.s32 v18, $0x7;
	v17 =	vmax.f32 v17, v49  }
0xad: {  	vm8 =	vne.s32 v18, $0x8;
	vm9 =	vne.s32 v18, $0x9;
	v17 =	vsel vm10, v19, v17  }
0xae: {  	vm11 =	vne.s32 v18, $0xA;
	vm12 =	vne.s32 v18, $0xB;
	vm13 =	veq.f32 v49, v17  }
0xaf: {  	vm10 =	vne.s32 v18, $0xC;
	vm13 =	vmand vm14, vm13;
	vm14 =	veq.f32 v48, v17  }
0xb0: {  	v52 =	vsel vm13, $0xF, v0;
	vm0 =	vmand vm0, vm14;
	vm13 =	veq.f32 v47, v17  }
0xb1: {  	v53 =	vsel vm0, $0xE, v52;
	vm0 =	vmand vm15, vm13;
	vm13 =	veq.f32 v46, v17  }
0xb2: {  	vm15 =	veq.f32 v45, v17;
	v54 =	vsel vm0, $0xD, v53;
	vm14 =	vmand vm10, vm13  }
0xb3: {  	vm12 =	vmand vm12, vm15;
	vm13 =	veq.f32 v44, v17;
	v55 =	vsel vm14, $0xC, v54  }
0xb4: {  	vm15 =	veq.f32 v43, v17;
	vm14 =	vmand vm11, vm13;
	v56 =	vsel vm12, $0xB, v55  }
0xb5: {  	vm13 =	veq.f32 v9, v17;
	vm12 =	vmand vm9, vm15;
	v57 =	vsel vm14, $0xA, v56  }
0xb6: {  	vm15 =	veq.f32 v8, v17;
	vm14 =	vmand vm8, vm13;
	v58 =	vsel vm12, $0x9, v57  }
0xb7: {  	vm10 =	veq.f32 v7, v17;
	vm9 =	vmand vm7, vm15;
	v59 =	vsel vm14, $0x8, v58  }
0xb8: {  	vm11 =	vmand vm6, vm10;
	vm12 =	veq.f32 v6, v17;
	v60 =	vsel vm9, $0x7, v59  }
0xb9: {  	vm13 =	vmand vm5, vm12;
	vm14 =	veq.f32 v5, v17;
	v61 =	vsel vm11, $0x6, v60  }
0xba: {  	vm8 =	veq.f32 v4, v17;
	vm15 =	vmand vm4, vm14;
	v62 =	vsel vm13, $0x5, v61  }
0xbb: {  	vm10 =	veq.f32 v3, v17;
	vm9 =	vmand vm3, vm8;
	v63 =	vsel vm15, $0x4, v62  }
0xbc: {  	vm12 =	veq.f32 v2, v17;
	vm11 =	vmand vm2, vm10;
	v3 =	vsel vm9, $0x3, v63  }
0xbd: {  	[tilespmem:$0x1FFF0] =	vst v20;
	vm13 =	vmand vm1, vm12;
	v2 =	vsel vm11, $0x2, v3  }
0xbe: {  	vm14 =	veq.f32 v1, v17;
	v1 =	vsel vm13, $0x1, v2;
	v2 =	vld [tilespmem:$0x1FFF0];
	_ =	sdelay $0x1  }
0xbf: {  	p0 =	sne.s32 s14, $0xF  }
.Ltmp0:
0xc0: {  	_ = 	snop;
	(pc) =	sbr.rel @p0 .LBB2_2-.Ltmp0, $4  }
0xc1: {  	s30 =	sshll.u32 s11, $0x5  }
0xc2: {  	s11 =	smov.u32 s14;
	s15 =	sand.u32 $0x3FFFFF00, s30;
	vm15 =	vnez.u8 v2  }
0xc3: {  	s31 =	sshll.u32 s14, $0x7;
	s13 =	sadd.s32 $0x10, s13;
	s15 =	sor.u32 s12, s15;
	vm0 =	vmand vm15, vm14  }
0xc4: {  	s14 =	sadd.s32 $0x1, s14;
	s16 =	sand.u32 $0x3FFFFC00, s31;
	s12 =	sand.u32 $0x70, s13;
	[tilespmem:s15+$0x1000] =	vst v18;
	v1 =	vsel vm0, $0x0, v1  }
0xc5: {  	s13 =	sor.u32 s12, s16;
	[tilespmem:s15+$0x1080] =	vst v1  }
0xc6: {  	v1 =	vld [tilespmem:s13+$0x0]  }
0xc7: {  	v2 =	vld [tilespmem:s13+$0x80]  }
0xc8: {  	v3 =	vld [tilespmem:s13+$0x100]  }
0xc9: {  	v4 =	vld [tilespmem:s13+$0x180]  }
0xca: {  	v5 =	vld [tilespmem:s13+$0x200]  }
0xcb: {  	v6 =	vld [tilespmem:s13+$0x280]  }
0xcc: {  	v7 =	vld [tilespmem:s13+$0x300];
	v9 =	vmax.f32 v1, v2  }
0xcd: {  	v8 =	vld [tilespmem:s13+$0x380];
	v10 =	vmax.f32 v9, v3  }
0xce: {  	v11 =	vld [tilespmem:s13+$0x800];
	v10 =	vmax.f32 v10, v4  }
0xcf: {  	v12 =	vld [tilespmem:s13+$0x880];
	v10 =	vmax.f32 v10, v5  }
0xd0: {  	v13 =	vld [tilespmem:s13+$0x900];
	v10 =	vmax.f32 v10, v6  }
0xd1: {  	v14 =	vld [tilespmem:s13+$0x980];
	v10 =	vmax.f32 v10, v7  }
0xd2: {  	v15 =	vld [tilespmem:s13+$0xA00];
	v10 =	vmax.f32 v10, v8  }
0xd3: {  	v16 =	vld [tilespmem:s13+$0xA80];
	v10 =	vmax.f32 v10, v11  }
0xd4: {  	v17 =	vld [tilespmem:s13+$0xB00];
	v10 =	vmax.f32 v10, v12  }
0xd5: {  	v18 =	vld [tilespmem:s13+$0xB80];
	v10 =	vmax.f32 v10, v13  }
0xd6: {  	v10 =	vmax.f32 v10, v14  }
0xd7: {  	v10 =	vmax.f32 v10, v15  }
0xd8: {  	v10 =	vmax.f32 v10, v16  }
0xd9: {  	v10 =	vmax.f32 v10, v17  }
0xda: {  	v10 =	vmax.f32 v10, v18  }
0xdb: {  	vm0 =	veq.f32 v18, v10  }
0xdc: {  	vm4 =	veq.f32 v17, v10;
	v19 =	vsel vm0, $0xF, v0  }
0xdd: {  	vm1 =	veq.f32 v16, v10;
	v19 =	vsel vm4, $0xE, v19  }
0xde: {  	vm5 =	veq.f32 v15, v10;
	v19 =	vsel vm1, $0xD, v19  }
0xdf: {  	vm6 =	veq.f32 v14, v10;
	v19 =	vsel vm5, $0xC, v19  }
0xe0: {  	vm7 =	veq.f32 v13, v10;
	v19 =	vsel vm6, $0xB, v19  }
0xe1: {  	vm8 =	veq.f32 v12, v10;
	v19 =	vsel vm7, $0xA, v19  }
0xe2: {  	vm9 =	veq.f32 v11, v10;
	v19 =	vsel vm8, $0x9, v19  }
0xe3: {  	vm10 =	veq.f32 v8, v10;
	v19 =	vsel vm9, $0x8, v19  }
0xe4: {  	vm11 =	veq.f32 v7, v10;
	v19 =	vsel vm10, $0x7, v19  }
0xe5: {  	vm12 =	veq.f32 v6, v10;
	v19 =	vsel vm11, $0x6, v19  }
0xe6: {  	vm13 =	veq.f32 v5, v10;
	v19 =	vsel vm12, $0x5, v19  }
0xe7: {  	vm14 =	veq.f32 v4, v10;
	v19 =	vsel vm13, $0x4, v19  }
0xe8: {  	vm15 =	veq.f32 v3, v10;
	v19 =	vsel vm14, $0x3, v19  }
0xe9: {  	vm4 =	veq.f32 v2, v10;
	v19 =	vsel vm15, $0x2, v19  }
0xea: {  	vm5 =	veq.f32 v1, v10;
	v50 =	vsel vm4, $0x1, v19  }
0xeb: {  	v10 =	vsel vm5, $0x0, v50  }
0xec: {  	vm0 =	veq.s32 v10, $0x1  }
0xed: {  	vm6 =	veq.s32 v10, $0x0;
	v51 =	vsel vm0, v1, v9  }
0xee: {  	v19 =	vsel vm6, v2, v51  }
0xef: {  	vm7 =	veq.s32 v10, $0x2;
	v19 =	vmax.f32 v19, v3  }
0xf0: {  	v9 =	vsel vm7, v9, v19  }
0xf1: {  	vm8 =	veq.s32 v10, $0x3;
	v9 =	vmax.f32 v9, v4  }
0xf2: {  	v19 =	vsel vm8, v19, v9  }
0xf3: {  	vm9 =	veq.s32 v10, $0x4;
	v19 =	vmax.f32 v19, v5  }
0xf4: {  	v9 =	vsel vm9, v9, v19  }
0xf5: {  	vm10 =	veq.s32 v10, $0x5;
	v9 =	vmax.f32 v9, v6  }
0xf6: {  	v19 =	vsel vm10, v19, v9  }
0xf7: {  	vm11 =	veq.s32 v10, $0x6;
	v19 =	vmax.f32 v19, v7  }
0xf8: {  	v9 =	vsel vm11, v9, v19  }
0xf9: {  	vm12 =	veq.s32 v10, $0x7;
	v9 =	vmax.f32 v9, v8  }
0xfa: {  	v19 =	vsel vm12, v19, v9  }
0xfb: {  	vm13 =	veq.s32 v10, $0x8;
	v19 =	vmax.f32 v19, v11  }
0xfc: {  	v9 =	vsel vm13, v9, v19  }
0xfd: {  	vm14 =	veq.s32 v10, $0x9;
	v9 =	vmax.f32 v9, v12  }
0xfe: {  	v19 =	vsel vm14, v19, v9  }
0xff: {  	vm15 =	veq.s32 v10, $0xA;
	v19 =	vmax.f32 v19, v13  }
0x100: {  	v9 =	vsel vm15, v9, v19  }
0x101: {  	vm4 =	veq.s32 v10, $0xB;
	v9 =	vmax.f32 v9, v14  }
0x102: {  	v19 =	vsel vm4, v19, v9  }
0x103: {  	vm5 =	veq.s32 v10, $0xC;
	v19 =	vmax.f32 v19, v15  }
0x104: {  	v9 =	vsel vm5, v9, v19  }
0x105: {  	vm6 =	veq.s32 v10, $0xD;
	v9 =	vmax.f32 v9, v16  }
0x106: {  	vm2 =	vne.s32 v10, $0xE;
	v19 =	vsel vm6, v19, v9  }
0x107: {  	vm7 =	veq.s32 v10, $0xE;
	vm8 =	veq.s32 v10, $0xF;
	v19 =	vmax.f32 v19, v17  }
0x108: {  	vm9 =	vne.s32 v10, $0xF;
	vm12 =	vne.s32 v10, $0xD;
	v9 =	vsel vm7, v9, v19  }
0x109: {  	vm14 =	vne.s32 v10, $0xC;
	vm4 =	vne.s32 v10, $0xB;
	v9 =	vmax.f32 v9, v18  }
0x10a: {  	vm6 =	vne.s32 v10, $0xA;
	v9 =	vsel vm8, v19, v9;
	vm8 =	vne.s32 v10, $0x9  }
0x10b: {  	vm0 =	veq.f32 v18, v9;
	vm10 =	veq.f32 v17, v9;
	vm13 =	veq.f32 v16, v9  }
0x10c: {  	vm15 =	veq.f32 v15, v9;
	vm5 =	veq.f32 v14, v9;
	vm7 =	veq.f32 v13, v9  }
0x10d: {  	vm0 =	vmand vm9, vm0;
	vm11 =	vmand vm2, vm10;
	vm1 =	vmand vm12, vm13  }
0x10e: {  	vm9 =	veq.f32 v12, v9;
	vm10 =	vne.s32 v10, $0x8;
	vm12 =	vne.s32 v10, $0x7  }
0x10f: {  	vm13 =	veq.f32 v8, v9;
	v52 =	vsel vm0, $0xF, v0;
	vm0 =	vmand vm14, vm15  }
0x110: {  	vm14 =	vne.s32 v10, $0x6;
	vm15 =	veq.f32 v7, v9;
	v53 =	vsel vm11, $0xE, v52  }
0x111: {  	vm11 =	veq.f32 v11, v9;
	v54 =	vsel vm1, $0xD, v53;
	vm1 =	vmand vm4, vm5  }
0x112: {  	vm4 =	vne.s32 v10, $0x5;
	vm5 =	veq.f32 v6, v9;
	v55 =	vsel vm0, $0xC, v54  }
0x113: {  	vm0 =	vmand vm6, vm7;
	vm6 =	vne.s32 v10, $0x4;
	v56 =	vsel vm1, $0xB, v55  }
0x114: {  	vm7 =	veq.f32 v5, v9;
	vm1 =	vmand vm8, vm9;
	v57 =	vsel vm0, $0xA, v56  }
0x115: {  	vm8 =	vne.s32 v10, $0x3;
	vm0 =	vmand vm10, vm11;
	v58 =	vsel vm1, $0x9, v57  }
0x116: {  	vm9 =	veq.f32 v4, v9;
	vm1 =	vmand vm12, vm13;
	v59 =	vsel vm0, $0x8, v58  }
0x117: {  	vm10 =	vne.s32 v10, $0x2;
	vm0 =	vmand vm14, vm15;
	v60 =	vsel vm1, $0x7, v59  }
0x118: {  	vm11 =	veq.f32 v3, v9;
	vm1 =	vmand vm4, vm5;
	v61 =	vsel vm0, $0x6, v60  }
0x119: {  	vm12 =	vne.s32 v10, $0x1;
	vm0 =	vmand vm6, vm7;
	v62 =	vsel vm1, $0x5, v61  }
0x11a: {  	vm13 =	veq.f32 v2, v9;
	vm1 =	vmand vm8, vm9;
	v63 =	vsel vm0, $0x4, v62  }
0x11b: {  	s11 =	sshll.u32 s11, $0x5;
	vm14 =	vne.s32 v10, $0x0;
	vm0 =	vmand vm10, vm11;
	v3 =	vsel vm1, $0x3, v63  }
0x11c: {  	s11 =	sand.u32 $0x3FFFFF00, s11;
	vm15 =	veq.f32 v1, v9;
	vm1 =	vmand vm12, vm13;
	v2 =	vsel vm0, $0x2, v3  }
0x11d: {  	s10 =	sadd.s32 $0x1, s10;
	s11 =	sor.u32 s12, s11;
	vm0 =	vmand vm14, vm15;
	v1 =	vsel vm1, $0x1, v2  }
0x11e: {  	p0 =	sne.s32 s10, s5;
	[tilespmem:s11+$0x1000] =	vst v10;
	v1 =	vsel vm0, $0x0, v1  }
.Ltmp1:
0x11f: {  	[tilespmem:s11+$0x1080] =	vst v1;
	(pc) =	sbr.rel @p0 .LBB2_1-.Ltmp1, $4  }
0x120: {  	[hbm4b:s4+s2] =	stream.linear.scatter [tilespmem:s9], [sflag:$0x1], $0x200, $0x38;
	[tilespmem:$0x1200] =	vst v63  }
0x121: {  	_ =	swait.ge [sflag:s8], $0x200  }
0x122: {  	[sflag:s8] =	ssyncset.done $0x0  }
0x123: {  	[sflag:s8] =	ssyncadd.s32 $0xFFFFFE00  }
0x124: {  	_ =	sfence.sel $0x180000  }
0x125: {  	[bflag:$0x0] =	sbarrier.arrive $0xFFFF  }
0x126: {  	p0 =	sne.s32 s1, $0x0;
	_ =	strace $0x90000047  }
0x127: {  	s0 =	sadd.s32 @!p0 $0x100000, s0;
	[bflag:$0x2] =	sbarrier.arrive $0xFFFF  }
0x128: {  	[sflag:s0] =	ssyncadd.tile.s32 @!p0 $0x1;
	_ =	shalt  }
.Lfunc_end2:
_tile_overlayer_lowered:
.L_overlay_start_2:
0x129: {  	(tag) =	ssettag $0x2  }
0x12a: {  	s0 =	rddreg [dreg:$0x0];
	s2 =	stileid.u32  }
0x12b: {  	s1 =	rddreg [dreg:$0x1];
	p0 =	sne.s32 s2, $0x0  }
0x12c: {  	s3 =	rddreg [dreg:$0x2];
	[bflag:$0x3] =	sbarrier.arrive $0xFFFF;
	s2 =	simm.s32 @!p0 $0x1C01  }
0x12d: {  	[timem:s3], [sflag:s2] =	dma.local @!p0 [hbm:s0], s1  }
0x12e: {  	s0 =	simm.s32 @!p0 $0x1  }
0x12f: {  	_ =	swait.ge @!p0 [sflag:s0], s1  }
0x130: {  	s1 =	ssub.s32 @!p0 $0x0, s1;
	[sflag:s0] =	ssyncset.done @!p0 $0x0  }
0x131: {  	[sflag:s0] =	ssyncadd.s32 @!p0 s1  }
0x132: {  	[bflag:$0x3] =	sbarrier.arrive $0xFFFF  }
0x133: {  	_ =	shalt  }

</sc_bundles>
